<compile_context>
chip_gen: v7x
topology: tpu7x:2x2x1
jax: 0.10.2.dev20260603
libtpu: 0.0.44.dev20260713+nightly
codegen_flags: <defaults>
</compile_context>

<pallas_src>
import functools

import jax
import jax.numpy as jnp
from jax import lax
from jax.experimental import pallas as pl
from jax.experimental.pallas import tpu as pltpu
from jax.experimental.pallas import tpu_sc as plsc

N = 10000
D = 128
D_OUT = 64
E = 320000

NC = 2
NS = 16
NW = NC * NS
CH = 120
NR = 3
NCHUNK = 87
NG = NCHUNK // NR
EPW = NCHUNK * CH
E_PAD = NW * EPW
N_ACC = 10112
RPT = N_ACC // NS


def _mesh():
    return plsc.VectorSubcoreMesh(
        core_axis_name="c", subcore_axis_name="s", num_cores=NC, num_subcores=NS
    )



def _make_prop(width):

    NB = NCHUNK // NR

    @functools.partial(
        pl.kernel,
        out_type=jax.ShapeDtypeStruct((NC, N_ACC, width), jnp.float32),
        mesh=_mesh(),
        scratch_types=[
            pltpu.VMEM((2, 8, CH), jnp.int32),
            pltpu.VMEM((2, 8, CH), jnp.int32),
            pltpu.VMEM((NR, CH, width), jnp.float32),
            pltpu.VMEM_SHARED((N_ACC, width), jnp.float32),
            pltpu.SemaphoreType.DMA,
            pltpu.SemaphoreType.DMA,
            pltpu.SemaphoreType.DMA,
            pltpu.SemaphoreType.DMA,
            pltpu.SemaphoreType.DMA,
        ],
    )
    def prop(table, gidx, sidx, zeros, out, gring, sring, stage, acc,
             sem0, sem1, sem2, semg, semsx):
        sems = (sem0, sem1, sem2)
        c = lax.axis_index("c")
        s = lax.axis_index("s")
        w = c * NS + s
        rb = s * RPT
        pltpu.async_copy(gidx.at[w, pl.ds(0, 8)], gring.at[0], semg)
        pltpu.async_copy(sidx.at[w, pl.ds(0, 8)], sring.at[0], semsx)
        pltpu.sync_copy(zeros, acc.at[pl.ds(rb, RPT)])
        plsc.subcore_barrier()

        def body(i, carry):
            par = lax.rem(i, 2)
            nxt = lax.rem(i + 1, 2)
            pltpu.make_async_copy(
                gidx.at[w, pl.ds(i * 8, 8)], gring.at[par], semg).wait()
            pltpu.make_async_copy(
                sidx.at[w, pl.ds(i * 8, 8)], sring.at[par], semsx).wait()
            pltpu.async_copy(gidx.at[w, pl.ds((i + 1) * 8, 8)], gring.at[nxt], semg)
            pltpu.async_copy(sidx.at[w, pl.ds((i + 1) * 8, 8)], sring.at[nxt], semsx)
            for p in range(NR):
                pltpu.async_copy(
                    table.at[gring.at[par, p]], stage.at[p], sems[p])
            for p in range(NR):
                pltpu.make_async_copy(
                    table.at[gring.at[par, p]], stage.at[p], sems[p]).wait()
                pltpu.sync_copy(stage.at[p], acc.at[sring.at[par, p]], add=True)
            return carry

        lax.fori_loop(0, NB, body, 0)
        pltpu.make_async_copy(
            gidx.at[w, pl.ds(NB * 8, 8)], gring.at[NB % 2], semg).wait()
        pltpu.make_async_copy(
            sidx.at[w, pl.ds(NB * 8, 8)], sring.at[NB % 2], semsx).wait()
        plsc.subcore_barrier()
        pltpu.sync_copy(acc.at[pl.ds(rb, RPT)], out.at[c, pl.ds(rb, RPT)])

    return prop


NCHUNK2 = 82
E_PAD2 = NW * NCHUNK2 * 128


def _make_deg():

    @functools.partial(
        pl.kernel,
        out_type=jax.ShapeDtypeStruct((NC, N_ACC, D), jnp.float32),
        mesh=_mesh(),
        scratch_types=[
            pltpu.VMEM((NCHUNK2, 128), jnp.int32),
            pltpu.VMEM((128, D), jnp.float32),
            pltpu.VMEM_SHARED((N_ACC, D), jnp.float32),
        ],
    )
    def deg(ones, sidx, zeros, out, sidx_v, ones_v, acc):
        c = lax.axis_index("c")
        s = lax.axis_index("s")
        w = c * NS + s
        pltpu.sync_copy(sidx.at[w], sidx_v)
        pltpu.sync_copy(ones, ones_v)
        rb = s * RPT
        pltpu.sync_copy(zeros, acc.at[pl.ds(rb, RPT)])
        plsc.subcore_barrier()

        def body(j, carry):
            pltpu.sync_copy(ones_v, acc.at[sidx_v.at[j]], add=True)
            return carry

        lax.fori_loop(0, NCHUNK2, body, 0)
        plsc.subcore_barrier()
        pltpu.sync_copy(acc.at[pl.ds(rb, RPT)], out.at[c, pl.ds(rb, RPT)])

    return deg



_GRID = 16
_BR = 632


def _dinv_block(d0, d1):
    deg = d0[:, 0:1] + d1[:, 0:1] + 1.0
    return lax.rsqrt(deg)


def _tc_first(xp, w1, d0, d1):

    def body(x_ref, w_ref, d0_ref, d1_ref, o_ref):
        dinv = _dinv_block(d0_ref[...], d1_ref[...])
        h = lax.dot_general(
            x_ref[...], w_ref[...], (((1,), (1,)), ((), ())),
            preferred_element_type=jnp.float32,
        )
        o_ref[...] = h * dinv

    return pl.pallas_call(
        body,
        grid=(_GRID,),
        in_specs=[
            pl.BlockSpec((_BR, D), lambda i: (i, 0)),
            pl.BlockSpec((D, D), lambda i: (0, 0)),
            pl.BlockSpec((_BR, D), lambda i: (i, 0)),
            pl.BlockSpec((_BR, D), lambda i: (i, 0)),
        ],
        out_specs=pl.BlockSpec((_BR, D), lambda i: (i, 0)),
        out_shape=jax.ShapeDtypeStruct((N, D), jnp.float32),
    )(xp, w1, d0, d1)


def _tc_mid(s0, s1, u1, w2, b1, d0, d1):

    def body(s0_ref, s1_ref, u_ref, w_ref, b_ref, d0_ref, d1_ref, o_ref):
        dinv = _dinv_block(d0_ref[...], d1_ref[...])
        agg = s0_ref[...] + s1_ref[...] + u_ref[...]
        h1 = jnp.maximum(agg * dinv + b_ref[...], 0.0)
        h2 = lax.dot_general(
            h1, w_ref[...], (((1,), (1,)), ((), ())),
            preferred_element_type=jnp.float32,
        )
        o_ref[...] = h2 * dinv

    return pl.pallas_call(
        body,
        grid=(_GRID,),
        in_specs=[
            pl.BlockSpec((_BR, D), lambda i: (i, 0)),
            pl.BlockSpec((_BR, D), lambda i: (i, 0)),
            pl.BlockSpec((_BR, D), lambda i: (i, 0)),
            pl.BlockSpec((D, D), lambda i: (0, 0)),
            pl.BlockSpec((1, D), lambda i: (0, 0)),
            pl.BlockSpec((_BR, D), lambda i: (i, 0)),
            pl.BlockSpec((_BR, D), lambda i: (i, 0)),
        ],
        out_specs=pl.BlockSpec((_BR, D), lambda i: (i, 0)),
        out_shape=jax.ShapeDtypeStruct((N, D), jnp.float32),
    )(s0, s1, u1, w2, b1, d0, d1)


def _tc_last(s0, s1, u2, wc, b2, bc, d0, d1):

    def body(s0_ref, s1_ref, u_ref, w_ref, b2_ref, bc_ref, d0_ref, d1_ref, o_ref):
        dinv = _dinv_block(d0_ref[...], d1_ref[...])
        agg = s0_ref[...] + s1_ref[...] + u_ref[...]
        h2 = agg * dinv + b2_ref[...]
        o = lax.dot_general(
            h2, w_ref[...], (((1,), (1,)), ((), ())),
            preferred_element_type=jnp.float32,
        )
        o_ref[...] = o + bc_ref[...]

    return pl.pallas_call(
        body,
        grid=(_GRID,),
        in_specs=[
            pl.BlockSpec((_BR, D), lambda i: (i, 0)),
            pl.BlockSpec((_BR, D), lambda i: (i, 0)),
            pl.BlockSpec((_BR, D), lambda i: (i, 0)),
            pl.BlockSpec((D_OUT, D), lambda i: (0, 0)),
            pl.BlockSpec((1, D), lambda i: (0, 0)),
            pl.BlockSpec((1, D_OUT), lambda i: (0, 0)),
            pl.BlockSpec((_BR, D), lambda i: (i, 0)),
            pl.BlockSpec((_BR, D), lambda i: (i, 0)),
        ],
        out_specs=pl.BlockSpec((_BR, D_OUT), lambda i: (i, 0)),
        out_shape=jax.ShapeDtypeStruct((N, D_OUT), jnp.float32),
    )(s0, s1, u2, wc, b2, bc, d0, d1)



def kernel(x, edge_index, W1, b1, W2, b2, Wc, bc):
    src = edge_index[0]
    dst = edge_index[1]
    ar = jnp.arange(E_PAD - E, dtype=jnp.int32)
    padg = ar % N
    pads = N + ar % (N_ACC - N)
    fill = jnp.full((NW, NG, 8 - NR, CH), N, dtype=jnp.int32)
    extra = jnp.zeros((NW, 8, CH), dtype=jnp.int32)
    g3 = jnp.concatenate([src, padg]).reshape(NW, NG, NR, CH)
    srcp = jnp.concatenate(
        [jnp.concatenate([g3, fill], axis=2).reshape(NW, NG * 8, CH), extra],
        axis=1)
    d3 = jnp.concatenate([dst, pads]).reshape(NW, NG, NR, CH)
    dsts = jnp.concatenate(
        [jnp.concatenate([d3, fill], axis=2).reshape(NW, NG * 8, CH), extra],
        axis=1)

    ar2 = jnp.arange(E_PAD2 - E, dtype=jnp.int32)
    pads2 = N + ar2 % (N_ACC - N)
    dst2 = jnp.concatenate([dst, pads2]).reshape(NW, NCHUNK2, 128)

    ones_rows = jnp.ones((128, D), jnp.float32)
    zeros_t = jnp.zeros((RPT, D), jnp.float32)
    b1r = b1.reshape(1, D)
    b2r = b2.reshape(1, D)
    bcr = bc.reshape(1, D_OUT)

    prop = _make_prop(D)
    deg = _make_deg()(ones_rows, dst2, zeros_t)
    d0, d1 = deg[0], deg[1]

    u1 = _tc_first(x, W1, d0, d1)
    s1 = prop(u1, srcp, dsts, zeros_t)
    u2 = _tc_mid(s1[0], s1[1], u1, W2, b1r, d0, d1)
    s2 = prop(u2, srcp, dsts, zeros_t)
    return _tc_last(s2[0], s2[1], u2, Wc, b2r, bcr, d0, d1)

# --- scband reference (transcript-rebuilt; emitter-appended) ---
"""Pipeline reference for scband-compressed-gnn-57062935495086 (READ-ONLY COPY).

The authoritative reference and input builder live on the scoring server;
editing this copy changes nothing except your own understanding.
"""

import jax, jax.numpy as jnp
import numpy as np

N = 10000
E = 320000
D_IN = 128
D_H = 128
D_OUT = 64


def setup_inputs(seed: int = 0) -> dict:
    key = jax.random.key(seed)
    ks = jax.random.split(key, 8)
    x = jax.random.normal(ks[0], (N, D_IN), dtype=jnp.float32)
    edge_index = jax.random.randint(ks[1], (2, E), 0, N, dtype=jnp.int32)
    W1 = jax.random.normal(ks[2], (D_H, D_IN), dtype=jnp.float32) * (1.0 / np.sqrt(D_IN))
    b1 = jnp.zeros((D_H,), dtype=jnp.float32)
    W2 = jax.random.normal(ks[3], (D_H, D_H), dtype=jnp.float32) * (1.0 / np.sqrt(D_H))
    b2 = jnp.zeros((D_H,), dtype=jnp.float32)
    Wc = jax.random.normal(ks[4], (D_OUT, D_H), dtype=jnp.float32) * (1.0 / np.sqrt(D_H))
    bc = jnp.zeros((D_OUT,), dtype=jnp.float32)
    return {"x": x, "edge_index": edge_index, "W1": W1, "b1": b1, "W2": W2, "b2": b2, "Wc": Wc, "bc": bc}


def gcn_conv(x, edge_index, W, b):
    # Faithful PyG GCNConv (add_self_loops=True, symmetric gcn_norm, bias)
    src = edge_index[0]
    dst = edge_index[1]
    loop = jnp.arange(N, dtype=src.dtype)
    src = jnp.concatenate([src, loop])
    dst = jnp.concatenate([dst, loop])
    # degree computed on destination (col) with unit edge weights
    deg = jnp.zeros((N,), dtype=x.dtype).at[dst].add(1.0)
    dinv = jnp.where(deg > 0, deg ** -0.5, 0.0)
    norm = dinv[src] * dinv[dst]
    h = x @ W.T
    msg = h[src] * norm[:, None]
    out = jnp.zeros((N, W.shape[0]), dtype=x.dtype).at[dst].add(msg)
    return out + b


def reference(x, edge_index, W1, b1, W2, b2, Wc, bc):
    # conv1 -> relu -> (dropout is identity in eval) -> conv2 -> classifier
    h = gcn_conv(x, edge_index, W1, b1)
    h = jax.nn.relu(h)
    h = gcn_conv(h, edge_index, W2, b2)
    return h @ Wc.T + bc

if __name__ == "__main__":
    import jax
    _d = setup_inputs()
    print(jax.jit(kernel)(*tuple(_d.values())))

</pallas_src>

<mosaic_0001>
#map = affine_map<(d0, d1) -> (0, 0)>
#map1 = affine_map<(d0, d1) -> (0, 0, 0)>
module attributes {stable_mosaic.version = 14 : i64} {
  func.func @prop(%arg0: i32, %arg1: i32, %arg2: memref<10000x128xf32, #tpu.memory_space<hbm>>, %arg3: memref<32x240x120xi32, #tpu.memory_space<hbm>>, %arg4: memref<32x240x120xi32, #tpu.memory_space<hbm>>, %arg5: memref<632x128xf32, #tpu.memory_space<hbm>>, %arg6: memref<2x10112x128xf32, #tpu.memory_space<hbm>>, %arg7: memref<2x8x120xi32, #tpu.memory_space<vmem>>, %arg8: memref<2x8x120xi32, #tpu.memory_space<vmem>>, %arg9: memref<3x120x128xf32, #tpu.memory_space<vmem>>, %arg10: memref<10112x128xf32, #tpu.memory_space<vmem_shared>>, %arg11: memref<!tpu.dma_semaphore, #tpu.memory_space<semaphore_mem>>, %arg12: memref<!tpu.dma_semaphore, #tpu.memory_space<semaphore_mem>>, %arg13: memref<!tpu.dma_semaphore, #tpu.memory_space<semaphore_mem>>, %arg14: memref<!tpu.dma_semaphore, #tpu.memory_space<semaphore_mem>>, %arg15: memref<!tpu.dma_semaphore, #tpu.memory_space<semaphore_mem>>) attributes {dimension_semantics = [#tpu.dimension_semantics<core_parallel>, #tpu.dimension_semantics<subcore_parallel>], iteration_bounds = array<i64: 2, 16>, scalar_prefetch = 0 : i64, scratch_operands = 9 : i64, tpu.core_type = #tpu.core_type<sc_vector_subcore>, window_params = [{transform_indices = #map}, {transform_indices = #map1}, {transform_indices = #map1}, {transform_indices = #map}, {transform_indices = #map1}]} {
    %mul3A = arith.constant 16 : i32
    %mul3A_0 = arith.muli %arg0, %mul3A : i32
    %add3A = arith.addi %mul3A_0, %arg1 : i32
    %mul3A_1 = arith.constant 632 : i32
    %mul3A_2 = arith.muli %arg1, %mul3A_1 : i32
    %dma_start3A = arith.constant 0 : i32
    %dma_start3A_3 = arith.constant 0 : i32
    %dma_start3A_4 = arith.constant 0 : i32
    %dma_start3A_5 = tpu.memref_slice %arg7[%dma_start3A, %dma_start3A_3, %dma_start3A_4] : memref<2x8x120xi32, #tpu.memory_space<vmem>> -> memref<1x8x120xi32, #tpu.memory_space<vmem>>
    %dma_start3A_6 = tpu.memref_squeeze %dma_start3A_5 : memref<1x8x120xi32, #tpu.memory_space<vmem>> -> memref<8x120xi32, #tpu.memory_space<vmem>>
    %dma_start3A_7 = arith.constant 0 : i32
    %dma_start3A_8 = arith.constant 0 : i32
    %dma_start3A_9 = tpu.memref_slice %arg3[%add3A, %dma_start3A_7, %dma_start3A_8] : memref<32x240x120xi32, #tpu.memory_space<hbm>> -> memref<1x8x120xi32, #tpu.memory_space<hbm>>
    %dma_start3A_10 = tpu.memref_squeeze %dma_start3A_9 : memref<1x8x120xi32, #tpu.memory_space<hbm>> -> memref<8x120xi32, #tpu.memory_space<hbm>>
    %dma_start3A_11 = arith.constant 0 : i32
    %dma_start3A_12 = arith.constant 0 : i32
    %dma_start3A_13 = tpu.memref_slice %arg7[%dma_start3A, %dma_start3A_11, %dma_start3A_12] : memref<2x8x120xi32, #tpu.memory_space<vmem>> -> memref<1x8x120xi32, #tpu.memory_space<vmem>>
    %dma_start3A_14 = tpu.memref_squeeze %dma_start3A_13 : memref<1x8x120xi32, #tpu.memory_space<vmem>> -> memref<8x120xi32, #tpu.memory_space<vmem>>
    %dma_start3A_15 = arith.constant 0 : i32
    %dma_start3A_16 = arith.constant 0 : i32
    %dma_start3A_17 = tpu.memref_slice %arg3[%add3A, %dma_start3A_15, %dma_start3A_16] : memref<32x240x120xi32, #tpu.memory_space<hbm>> -> memref<1x8x120xi32, #tpu.memory_space<hbm>>
    %dma_start3A_18 = tpu.memref_squeeze %dma_start3A_17 : memref<1x8x120xi32, #tpu.memory_space<hbm>> -> memref<8x120xi32, #tpu.memory_space<hbm>>
    tpu.enqueue_dma source(%dma_start3A_18 : memref<8x120xi32, #tpu.memory_space<hbm>>) target(%dma_start3A_14 : memref<8x120xi32, #tpu.memory_space<vmem>>) target_semaphore(%arg14 : memref<!tpu.dma_semaphore, #tpu.memory_space<semaphore_mem>>)
    %dma_start3A_19 = arith.constant 0 : i32
    %dma_start3A_20 = arith.constant 0 : i32
    %dma_start3A_21 = arith.constant 0 : i32
    %dma_start3A_22 = tpu.memref_slice %arg8[%dma_start3A_19, %dma_start3A_20, %dma_start3A_21] : memref<2x8x120xi32, #tpu.memory_space<vmem>> -> memref<1x8x120xi32, #tpu.memory_space<vmem>>
    %dma_start3A_23 = tpu.memref_squeeze %dma_start3A_22 : memref<1x8x120xi32, #tpu.memory_space<vmem>> -> memref<8x120xi32, #tpu.memory_space<vmem>>
    %dma_start3A_24 = arith.constant 0 : i32
    %dma_start3A_25 = arith.constant 0 : i32
    %dma_start3A_26 = tpu.memref_slice %arg4[%add3A, %dma_start3A_24, %dma_start3A_25] : memref<32x240x120xi32, #tpu.memory_space<hbm>> -> memref<1x8x120xi32, #tpu.memory_space<hbm>>
    %dma_start3A_27 = tpu.memref_squeeze %dma_start3A_26 : memref<1x8x120xi32, #tpu.memory_space<hbm>> -> memref<8x120xi32, #tpu.memory_space<hbm>>
    %dma_start3A_28 = arith.constant 0 : i32
    %dma_start3A_29 = arith.constant 0 : i32
    %dma_start3A_30 = tpu.memref_slice %arg8[%dma_start3A_19, %dma_start3A_28, %dma_start3A_29] : memref<2x8x120xi32, #tpu.memory_space<vmem>> -> memref<1x8x120xi32, #tpu.memory_space<vmem>>
    %dma_start3A_31 = tpu.memref_squeeze %dma_start3A_30 : memref<1x8x120xi32, #tpu.memory_space<vmem>> -> memref<8x120xi32, #tpu.memory_space<vmem>>
    %dma_start3A_32 = arith.constant 0 : i32
    %dma_start3A_33 = arith.constant 0 : i32
    %dma_start3A_34 = tpu.memref_slice %arg4[%add3A, %dma_start3A_32, %dma_start3A_33] : memref<32x240x120xi32, #tpu.memory_space<hbm>> -> memref<1x8x120xi32, #tpu.memory_space<hbm>>
    %dma_start3A_35 = tpu.memref_squeeze %dma_start3A_34 : memref<1x8x120xi32, #tpu.memory_space<hbm>> -> memref<8x120xi32, #tpu.memory_space<hbm>>
    tpu.enqueue_dma source(%dma_start3A_35 : memref<8x120xi32, #tpu.memory_space<hbm>>) target(%dma_start3A_31 : memref<8x120xi32, #tpu.memory_space<vmem>>) target_semaphore(%arg15 : memref<!tpu.dma_semaphore, #tpu.memory_space<semaphore_mem>>)
    "tpu.region"() ({
      %run_scoped3A = tpu.sem_alloc : memref<!tpu.dma_semaphore, #tpu.memory_space<semaphore_mem>>
      %dma_start3A_75 = arith.constant 0 : i32
      %dma_start3A_76 = tpu.memref_slice %arg10[%mul3A_2, %dma_start3A_75] : memref<10112x128xf32, #tpu.memory_space<vmem_shared>> -> memref<632x128xf32, #tpu.memory_space<vmem_shared>>
      tpu.enqueue_dma source(%arg5 : memref<632x128xf32, #tpu.memory_space<hbm>>) target(%dma_start3A_76 : memref<632x128xf32, #tpu.memory_space<vmem_shared>>) target_semaphore(%run_scoped3A : memref<!tpu.dma_semaphore, #tpu.memory_space<semaphore_mem>>)
      %dma_wait3A_77 = arith.constant 0 : i32
      %dma_wait3A_78 = tpu.memref_slice %arg10[%mul3A_2, %dma_wait3A_77] : memref<10112x128xf32, #tpu.memory_space<vmem_shared>> -> memref<632x128xf32, #tpu.memory_space<vmem_shared>>
      tpu.wait_dma2 semaphore(%run_scoped3A : memref<!tpu.dma_semaphore, #tpu.memory_space<semaphore_mem>>) src(%arg5 : memref<632x128xf32, #tpu.memory_space<hbm>>) dst(%dma_wait3A_78 : memref<632x128xf32, #tpu.memory_space<vmem_shared>>)
      tpu.yield
    }) : () -> ()
    %barrier3A = arith.constant 0 : index
    tpu.barrier barrier_id(%barrier3A)
    %scan3A = arith.constant 0 : i32
    %scan3A_36 = arith.constant 0 : i32
    %scan3A_37 = arith.constant 29 : i32
    %scan3A_38 = arith.addi %scan3A_36, %scan3A_37 : i32
    %scan3A_39 = arith.constant 1 : i32
    scf.for %scan3A_75 = %scan3A_36 to %scan3A_38 step %scan3A_39  : i32 {
      %rem3A = arith.constant 2 : i32
      %rem3A_76 = arith.remsi %scan3A_75, %rem3A : i32
      %add3A_77 = arith.constant 1 : i32
      %add3A_78 = arith.addi %scan3A_75, %add3A_77 : i32
      %rem3A_79 = arith.constant 2 : i32
      %rem3A_80 = arith.remsi %add3A_78, %rem3A_79 : i32
      %mul3A_81 = arith.constant 8 : i32
      %mul3A_82 = arith.muli %scan3A_75, %mul3A_81 : i32
      %dma_wait3A_83 = arith.constant 0 : i32
      %dma_wait3A_84 = arith.constant 0 : i32
      %dma_wait3A_85 = tpu.memref_slice %arg7[%rem3A_76, %dma_wait3A_83, %dma_wait3A_84] : memref<2x8x120xi32, #tpu.memory_space<vmem>> -> memref<1x8x120xi32, #tpu.memory_space<vmem>>
      %dma_wait3A_86 = tpu.memref_squeeze %dma_wait3A_85 : memref<1x8x120xi32, #tpu.memory_space<vmem>> -> memref<8x120xi32, #tpu.memory_space<vmem>>
      %dma_wait3A_87 = arith.constant 0 : i32
      %dma_wait3A_88 = tpu.memref_slice %arg3[%add3A, %mul3A_82, %dma_wait3A_87] : memref<32x240x120xi32, #tpu.memory_space<hbm>> -> memref<1x8x120xi32, #tpu.memory_space<hbm>>
      %dma_wait3A_89 = tpu.memref_squeeze %dma_wait3A_88 : memref<1x8x120xi32, #tpu.memory_space<hbm>> -> memref<8x120xi32, #tpu.memory_space<hbm>>
      %dma_wait3A_90 = arith.constant 0 : i32
      %dma_wait3A_91 = arith.constant 0 : i32
      %dma_wait3A_92 = tpu.memref_slice %arg7[%rem3A_76, %dma_wait3A_90, %dma_wait3A_91] : memref<2x8x120xi32, #tpu.memory_space<vmem>> -> memref<1x8x120xi32, #tpu.memory_space<vmem>>
      %dma_wait3A_93 = tpu.memref_squeeze %dma_wait3A_92 : memref<1x8x120xi32, #tpu.memory_space<vmem>> -> memref<8x120xi32, #tpu.memory_space<vmem>>
      %dma_wait3A_94 = arith.constant 0 : i32
      %dma_wait3A_95 = tpu.memref_slice %arg3[%add3A, %mul3A_82, %dma_wait3A_94] : memref<32x240x120xi32, #tpu.memory_space<hbm>> -> memref<1x8x120xi32, #tpu.memory_space<hbm>>
      %dma_wait3A_96 = tpu.memref_squeeze %dma_wait3A_95 : memref<1x8x120xi32, #tpu.memory_space<hbm>> -> memref<8x120xi32, #tpu.memory_space<hbm>>
      tpu.wait_dma2 semaphore(%arg14 : memref<!tpu.dma_semaphore, #tpu.memory_space<semaphore_mem>>) src(%dma_wait3A_96 : memref<8x120xi32, #tpu.memory_space<hbm>>) dst(%dma_wait3A_93 : memref<8x120xi32, #tpu.memory_space<vmem>>)
      %mul3A_97 = arith.constant 8 : i32
      %mul3A_98 = arith.muli %scan3A_75, %mul3A_97 : i32
      %dma_wait3A_99 = arith.constant 0 : i32
      %dma_wait3A_100 = arith.constant 0 : i32
      %dma_wait3A_101 = tpu.memref_slice %arg8[%rem3A_76, %dma_wait3A_99, %dma_wait3A_100] : memref<2x8x120xi32, #tpu.memory_space<vmem>> -> memref<1x8x120xi32, #tpu.memory_space<vmem>>
      %dma_wait3A_102 = tpu.memref_squeeze %dma_wait3A_101 : memref<1x8x120xi32, #tpu.memory_space<vmem>> -> memref<8x120xi32, #tpu.memory_space<vmem>>
      %dma_wait3A_103 = arith.constant 0 : i32
      %dma_wait3A_104 = tpu.memref_slice %arg4[%add3A, %mul3A_98, %dma_wait3A_103] : memref<32x240x120xi32, #tpu.memory_space<hbm>> -> memref<1x8x120xi32, #tpu.memory_space<hbm>>
      %dma_wait3A_105 = tpu.memref_squeeze %dma_wait3A_104 : memref<1x8x120xi32, #tpu.memory_space<hbm>> -> memref<8x120xi32, #tpu.memory_space<hbm>>
      %dma_wait3A_106 = arith.constant 0 : i32
      %dma_wait3A_107 = arith.constant 0 : i32
      %dma_wait3A_108 = tpu.memref_slice %arg8[%rem3A_76, %dma_wait3A_106, %dma_wait3A_107] : memref<2x8x120xi32, #tpu.memory_space<vmem>> -> memref<1x8x120xi32, #tpu.memory_space<vmem>>
      %dma_wait3A_109 = tpu.memref_squeeze %dma_wait3A_108 : memref<1x8x120xi32, #tpu.memory_space<vmem>> -> memref<8x120xi32, #tpu.memory_space<vmem>>
      %dma_wait3A_110 = arith.constant 0 : i32
      %dma_wait3A_111 = tpu.memref_slice %arg4[%add3A, %mul3A_98, %dma_wait3A_110] : memref<32x240x120xi32, #tpu.memory_space<hbm>> -> memref<1x8x120xi32, #tpu.memory_space<hbm>>
      %dma_wait3A_112 = tpu.memref_squeeze %dma_wait3A_111 : memref<1x8x120xi32, #tpu.memory_space<hbm>> -> memref<8x120xi32, #tpu.memory_space<hbm>>
      tpu.wait_dma2 semaphore(%arg15 : memref<!tpu.dma_semaphore, #tpu.memory_space<semaphore_mem>>) src(%dma_wait3A_112 : memref<8x120xi32, #tpu.memory_space<hbm>>) dst(%dma_wait3A_109 : memref<8x120xi32, #tpu.memory_space<vmem>>)
      %add3A_113 = arith.constant 1 : i32
      %add3A_114 = arith.addi %scan3A_75, %add3A_113 : i32
      %mul3A_115 = arith.constant 8 : i32
      %mul3A_116 = arith.muli %add3A_114, %mul3A_115 : i32
      %dma_start3A_117 = arith.constant 0 : i32
      %dma_start3A_118 = arith.constant 0 : i32
      %dma_start3A_119 = tpu.memref_slice %arg7[%rem3A_80, %dma_start3A_117, %dma_start3A_118] : memref<2x8x120xi32, #tpu.memory_space<vmem>> -> memref<1x8x120xi32, #tpu.memory_space<vmem>>
      %dma_start3A_120 = tpu.memref_squeeze %dma_start3A_119 : memref<1x8x120xi32, #tpu.memory_space<vmem>> -> memref<8x120xi32, #tpu.memory_space<vmem>>
      %dma_start3A_121 = arith.constant 0 : i32
      %dma_start3A_122 = tpu.memref_slice %arg3[%add3A, %mul3A_116, %dma_start3A_121] : memref<32x240x120xi32, #tpu.memory_space<hbm>> -> memref<1x8x120xi32, #tpu.memory_space<hbm>>
      %dma_start3A_123 = tpu.memref_squeeze %dma_start3A_122 : memref<1x8x120xi32, #tpu.memory_space<hbm>> -> memref<8x120xi32, #tpu.memory_space<hbm>>
      %dma_start3A_124 = arith.constant 0 : i32
      %dma_start3A_125 = arith.constant 0 : i32
      %dma_start3A_126 = tpu.memref_slice %arg7[%rem3A_80, %dma_start3A_124, %dma_start3A_125] : memref<2x8x120xi32, #tpu.memory_space<vmem>> -> memref<1x8x120xi32, #tpu.memory_space<vmem>>
      %dma_start3A_127 = tpu.memref_squeeze %dma_start3A_126 : memref<1x8x120xi32, #tpu.memory_space<vmem>> -> memref<8x120xi32, #tpu.memory_space<vmem>>
      %dma_start3A_128 = arith.constant 0 : i32
      %dma_start3A_129 = tpu.memref_slice %arg3[%add3A, %mul3A_116, %dma_start3A_128] : memref<32x240x120xi32, #tpu.memory_space<hbm>> -> memref<1x8x120xi32, #tpu.memory_space<hbm>>
      %dma_start3A_130 = tpu.memref_squeeze %dma_start3A_129 : memref<1x8x120xi32, #tpu.memory_space<hbm>> -> memref<8x120xi32, #tpu.memory_space<hbm>>
      tpu.enqueue_dma source(%dma_start3A_130 : memref<8x120xi32, #tpu.memory_space<hbm>>) target(%dma_start3A_127 : memref<8x120xi32, #tpu.memory_space<vmem>>) target_semaphore(%arg14 : memref<!tpu.dma_semaphore, #tpu.memory_space<semaphore_mem>>)
      %add3A_131 = arith.constant 1 : i32
      %add3A_132 = arith.addi %scan3A_75, %add3A_131 : i32
      %mul3A_133 = arith.constant 8 : i32
      %mul3A_134 = arith.muli %add3A_132, %mul3A_133 : i32
      %dma_start3A_135 = arith.constant 0 : i32
      %dma_start3A_136 = arith.constant 0 : i32
      %dma_start3A_137 = tpu.memref_slice %arg8[%rem3A_80, %dma_start3A_135, %dma_start3A_136] : memref<2x8x120xi32, #tpu.memory_space<vmem>> -> memref<1x8x120xi32, #tpu.memory_space<vmem>>
      %dma_start3A_138 = tpu.memref_squeeze %dma_start3A_137 : memref<1x8x120xi32, #tpu.memory_space<vmem>> -> memref<8x120xi32, #tpu.memory_space<vmem>>
      %dma_start3A_139 = arith.constant 0 : i32
      %dma_start3A_140 = tpu.memref_slice %arg4[%add3A, %mul3A_134, %dma_start3A_139] : memref<32x240x120xi32, #tpu.memory_space<hbm>> -> memref<1x8x120xi32, #tpu.memory_space<hbm>>
      %dma_start3A_141 = tpu.memref_squeeze %dma_start3A_140 : memref<1x8x120xi32, #tpu.memory_space<hbm>> -> memref<8x120xi32, #tpu.memory_space<hbm>>
      %dma_start3A_142 = arith.constant 0 : i32
      %dma_start3A_143 = arith.constant 0 : i32
      %dma_start3A_144 = tpu.memref_slice %arg8[%rem3A_80, %dma_start3A_142, %dma_start3A_143] : memref<2x8x120xi32, #tpu.memory_space<vmem>> -> memref<1x8x120xi32, #tpu.memory_space<vmem>>
      %dma_start3A_145 = tpu.memref_squeeze %dma_start3A_144 : memref<1x8x120xi32, #tpu.memory_space<vmem>> -> memref<8x120xi32, #tpu.memory_space<vmem>>
      %dma_start3A_146 = arith.constant 0 : i32
      %dma_start3A_147 = tpu.memref_slice %arg4[%add3A, %mul3A_134, %dma_start3A_146] : memref<32x240x120xi32, #tpu.memory_space<hbm>> -> memref<1x8x120xi32, #tpu.memory_space<hbm>>
      %dma_start3A_148 = tpu.memref_squeeze %dma_start3A_147 : memref<1x8x120xi32, #tpu.memory_space<hbm>> -> memref<8x120xi32, #tpu.memory_space<hbm>>
      tpu.enqueue_dma source(%dma_start3A_148 : memref<8x120xi32, #tpu.memory_space<hbm>>) target(%dma_start3A_145 : memref<8x120xi32, #tpu.memory_space<vmem>>) target_semaphore(%arg15 : memref<!tpu.dma_semaphore, #tpu.memory_space<semaphore_mem>>)
      %dma_start3A_149 = arith.constant 0 : i32
      %dma_start3A_150 = arith.constant 0 : i32
      %dma_start3A_151 = arith.constant 0 : i32
      %dma_start3A_152 = arith.constant 0 : i32
      %dma_start3A_153 = tpu.memref_slice %arg9[%dma_start3A_150, %dma_start3A_151, %dma_start3A_152] : memref<3x120x128xf32, #tpu.memory_space<vmem>> -> memref<1x120x128xf32, #tpu.memory_space<vmem>>
      %dma_start3A_154 = tpu.memref_squeeze %dma_start3A_153 : memref<1x120x128xf32, #tpu.memory_space<vmem>> -> memref<120x128xf32, #tpu.memory_space<vmem>>
      %dma_start3A_155 = arith.constant 0 : i32
      %dma_start3A_156 = tpu.memref_slice %arg7[%rem3A_76, %dma_start3A_149, %dma_start3A_155] : memref<2x8x120xi32, #tpu.memory_space<vmem>> -> memref<1x1x120xi32, #tpu.memory_space<vmem>>
      %dma_start3A_157 = tpu.memref_squeeze %dma_start3A_156 : memref<1x1x120xi32, #tpu.memory_space<vmem>> -> memref<120xi32, #tpu.memory_space<vmem>>
      %dma_start3A_158 = arith.constant 0 : i32
      %dma_start3A_159 = arith.constant 0 : i32
      %dma_start3A_160 = tpu.memref_slice %arg2[%dma_start3A_158, %dma_start3A_159] : memref<10000x128xf32, #tpu.memory_space<hbm>> -> memref<10000x128xf32, #tpu.memory_space<hbm>>
      tpu.enqueue_indirect_dma source(%dma_start3A_160 : memref<10000x128xf32, #tpu.memory_space<hbm>>) target(%dma_start3A_154 : memref<120x128xf32, #tpu.memory_space<vmem>>) offsets(%dma_start3A_157 : memref<120xi32, #tpu.memory_space<vmem>>) semaphore(%arg11 : memref<!tpu.dma_semaphore, #tpu.memory_space<semaphore_mem>>)
      %dma_start3A_161 = arith.constant 1 : i32
      %dma_start3A_162 = arith.constant 1 : i32
      %dma_start3A_163 = arith.constant 0 : i32
      %dma_start3A_164 = arith.constant 0 : i32
      %dma_start3A_165 = tpu.memref_slice %arg9[%dma_start3A_162, %dma_start3A_163, %dma_start3A_164] : memref<3x120x128xf32, #tpu.memory_space<vmem>> -> memref<1x120x128xf32, #tpu.memory_space<vmem>>
      %dma_start3A_166 = tpu.memref_squeeze %dma_start3A_165 : memref<1x120x128xf32, #tpu.memory_space<vmem>> -> memref<120x128xf32, #tpu.memory_space<vmem>>
      %dma_start3A_167 = arith.constant 0 : i32
      %dma_start3A_168 = tpu.memref_slice %arg7[%rem3A_76, %dma_start3A_161, %dma_start3A_167] : memref<2x8x120xi32, #tpu.memory_space<vmem>> -> memref<1x1x120xi32, #tpu.memory_space<vmem>>
      %dma_start3A_169 = tpu.memref_squeeze %dma_start3A_168 : memref<1x1x120xi32, #tpu.memory_space<vmem>> -> memref<120xi32, #tpu.memory_space<vmem>>
      %dma_start3A_170 = arith.constant 0 : i32
      %dma_start3A_171 = arith.constant 0 : i32
      %dma_start3A_172 = tpu.memref_slice %arg2[%dma_start3A_170, %dma_start3A_171] : memref<10000x128xf32, #tpu.memory_space<hbm>> -> memref<10000x128xf32, #tpu.memory_space<hbm>>
      tpu.enqueue_indirect_dma source(%dma_start3A_172 : memref<10000x128xf32, #tpu.memory_space<hbm>>) target(%dma_start3A_166 : memref<120x128xf32, #tpu.memory_space<vmem>>) offsets(%dma_start3A_169 : memref<120xi32, #tpu.memory_space<vmem>>) semaphore(%arg12 : memref<!tpu.dma_semaphore, #tpu.memory_space<semaphore_mem>>)
      %dma_start3A_173 = arith.constant 2 : i32
      %dma_start3A_174 = arith.constant 2 : i32
      %dma_start3A_175 = arith.constant 0 : i32
      %dma_start3A_176 = arith.constant 0 : i32
      %dma_start3A_177 = tpu.memref_slice %arg9[%dma_start3A_174, %dma_start3A_175, %dma_start3A_176] : memref<3x120x128xf32, #tpu.memory_space<vmem>> -> memref<1x120x128xf32, #tpu.memory_space<vmem>>
      %dma_start3A_178 = tpu.memref_squeeze %dma_start3A_177 : memref<1x120x128xf32, #tpu.memory_space<vmem>> -> memref<120x128xf32, #tpu.memory_space<vmem>>
      %dma_start3A_179 = arith.constant 0 : i32
      %dma_start3A_180 = tpu.memref_slice %arg7[%rem3A_76, %dma_start3A_173, %dma_start3A_179] : memref<2x8x120xi32, #tpu.memory_space<vmem>> -> memref<1x1x120xi32, #tpu.memory_space<vmem>>
      %dma_start3A_181 = tpu.memref_squeeze %dma_start3A_180 : memref<1x1x120xi32, #tpu.memory_space<vmem>> -> memref<120xi32, #tpu.memory_space<vmem>>
      %dma_start3A_182 = arith.constant 0 : i32
      %dma_start3A_183 = arith.constant 0 : i32
      %dma_start3A_184 = tpu.memref_slice %arg2[%dma_start3A_182, %dma_start3A_183] : memref<10000x128xf32, #tpu.memory_space<hbm>> -> memref<10000x128xf32, #tpu.memory_space<hbm>>
      tpu.enqueue_indirect_dma source(%dma_start3A_184 : memref<10000x128xf32, #tpu.memory_space<hbm>>) target(%dma_start3A_178 : memref<120x128xf32, #tpu.memory_space<vmem>>) offsets(%dma_start3A_181 : memref<120xi32, #tpu.memory_space<vmem>>) semaphore(%arg13 : memref<!tpu.dma_semaphore, #tpu.memory_space<semaphore_mem>>)
      %dma_wait3A_185 = arith.constant 0 : i32
      %dma_wait3A_186 = arith.constant 0 : i32
      %dma_wait3A_187 = arith.constant 0 : i32
      %dma_wait3A_188 = arith.constant 0 : i32
      %dma_wait3A_189 = tpu.memref_slice %arg9[%dma_wait3A_186, %dma_wait3A_187, %dma_wait3A_188] : memref<3x120x128xf32, #tpu.memory_space<vmem>> -> memref<1x120x128xf32, #tpu.memory_space<vmem>>
      %dma_wait3A_190 = tpu.memref_squeeze %dma_wait3A_189 : memref<1x120x128xf32, #tpu.memory_space<vmem>> -> memref<120x128xf32, #tpu.memory_space<vmem>>
      %dma_wait3A_191 = arith.constant 0 : i32
      %dma_wait3A_192 = tpu.memref_slice %arg7[%rem3A_76, %dma_wait3A_185, %dma_wait3A_191] : memref<2x8x120xi32, #tpu.memory_space<vmem>> -> memref<1x1x120xi32, #tpu.memory_space<vmem>>
      %dma_wait3A_193 = tpu.memref_squeeze %dma_wait3A_192 : memref<1x1x120xi32, #tpu.memory_space<vmem>> -> memref<120xi32, #tpu.memory_space<vmem>>
      %dma_wait3A_194 = arith.constant 0 : i32
      %dma_wait3A_195 = arith.constant 0 : i32
      %dma_wait3A_196 = tpu.memref_slice %arg2[%dma_wait3A_194, %dma_wait3A_195] : memref<10000x128xf32, #tpu.memory_space<hbm>> -> memref<10000x128xf32, #tpu.memory_space<hbm>>
      tpu.wait_indirect_dma semaphore(%arg11 : memref<!tpu.dma_semaphore, #tpu.memory_space<semaphore_mem>>) src(%dma_wait3A_196 : memref<10000x128xf32, #tpu.memory_space<hbm>>) dst(%dma_wait3A_190 : memref<120x128xf32, #tpu.memory_space<vmem>>)
      %run_scoped3A = arith.constant 0 : i32
      %run_scoped3A_197 = arith.constant 0 : i32
      "tpu.region"() ({
        %run_scoped3A_226 = tpu.sem_alloc : memref<!tpu.dma_semaphore, #tpu.memory_space<semaphore_mem>>
        %dma_start3A_227 = arith.constant 0 : i32
        %dma_start3A_228 = arith.constant 0 : i32
        %dma_start3A_229 = tpu.memref_slice %arg9[%run_scoped3A, %dma_start3A_227, %dma_start3A_228] : memref<3x120x128xf32, #tpu.memory_space<vmem>> -> memref<1x120x128xf32, #tpu.memory_space<vmem>>
        %dma_start3A_230 = tpu.memref_squeeze %dma_start3A_229 : memref<1x120x128xf32, #tpu.memory_space<vmem>> -> memref<120x128xf32, #tpu.memory_space<vmem>>
        %dma_start3A_231 = arith.constant 0 : i32
        %dma_start3A_232 = tpu.memref_slice %arg8[%rem3A_76, %run_scoped3A_197, %dma_start3A_231] : memref<2x8x120xi32, #tpu.memory_space<vmem>> -> memref<1x1x120xi32, #tpu.memory_space<vmem>>
        %dma_start3A_233 = tpu.memref_squeeze %dma_start3A_232 : memref<1x1x120xi32, #tpu.memory_space<vmem>> -> memref<120xi32, #tpu.memory_space<vmem>>
        %dma_start3A_234 = arith.constant 0 : i32
        %dma_start3A_235 = arith.constant 0 : i32
        %dma_start3A_236 = tpu.memref_slice %arg10[%dma_start3A_234, %dma_start3A_235] : memref<10112x128xf32, #tpu.memory_space<vmem_shared>> -> memref<10112x128xf32, #tpu.memory_space<vmem_shared>>
        tpu.enqueue_indirect_dma source(%dma_start3A_230 : memref<120x128xf32, #tpu.memory_space<vmem>>) target(%dma_start3A_236 : memref<10112x128xf32, #tpu.memory_space<vmem_shared>>) offsets(%dma_start3A_233 : memref<120xi32, #tpu.memory_space<vmem>>) semaphore(%run_scoped3A_226 : memref<!tpu.dma_semaphore, #tpu.memory_space<semaphore_mem>>) {add = true}
        %dma_wait3A_237 = arith.constant 0 : i32
        %dma_wait3A_238 = arith.constant 0 : i32
        %dma_wait3A_239 = tpu.memref_slice %arg9[%run_scoped3A, %dma_wait3A_237, %dma_wait3A_238] : memref<3x120x128xf32, #tpu.memory_space<vmem>> -> memref<1x120x128xf32, #tpu.memory_space<vmem>>
        %dma_wait3A_240 = tpu.memref_squeeze %dma_wait3A_239 : memref<1x120x128xf32, #tpu.memory_space<vmem>> -> memref<120x128xf32, #tpu.memory_space<vmem>>
        %dma_wait3A_241 = arith.constant 0 : i32
        %dma_wait3A_242 = tpu.memref_slice %arg8[%rem3A_76, %run_scoped3A_197, %dma_wait3A_241] : memref<2x8x120xi32, #tpu.memory_space<vmem>> -> memref<1x1x120xi32, #tpu.memory_space<vmem>>
        %dma_wait3A_243 = tpu.memref_squeeze %dma_wait3A_242 : memref<1x1x120xi32, #tpu.memory_space<vmem>> -> memref<120xi32, #tpu.memory_space<vmem>>
        %dma_wait3A_244 = arith.constant 0 : i32
        %dma_wait3A_245 = arith.constant 0 : i32
        %dma_wait3A_246 = tpu.memref_slice %arg10[%dma_wait3A_244, %dma_wait3A_245] : memref<10112x128xf32, #tpu.memory_space<vmem_shared>> -> memref<10112x128xf32, #tpu.memory_space<vmem_shared>>
        tpu.wait_indirect_dma semaphore(%run_scoped3A_226 : memref<!tpu.dma_semaphore, #tpu.memory_space<semaphore_mem>>) src(%dma_wait3A_240 : memref<120x128xf32, #tpu.memory_space<vmem>>) dst(%dma_wait3A_246 : memref<10112x128xf32, #tpu.memory_space<vmem_shared>>)
        tpu.yield
      }) : () -> ()
      %dma_wait3A_198 = arith.constant 1 : i32
      %dma_wait3A_199 = arith.constant 1 : i32
      %dma_wait3A_200 = arith.constant 0 : i32
      %dma_wait3A_201 = arith.constant 0 : i32
      %dma_wait3A_202 = tpu.memref_slice %arg9[%dma_wait3A_199, %dma_wait3A_200, %dma_wait3A_201] : memref<3x120x128xf32, #tpu.memory_space<vmem>> -> memref<1x120x128xf32, #tpu.memory_space<vmem>>
      %dma_wait3A_203 = tpu.memref_squeeze %dma_wait3A_202 : memref<1x120x128xf32, #tpu.memory_space<vmem>> -> memref<120x128xf32, #tpu.memory_space<vmem>>
      %dma_wait3A_204 = arith.constant 0 : i32
      %dma_wait3A_205 = tpu.memref_slice %arg7[%rem3A_76, %dma_wait3A_198, %dma_wait3A_204] : memref<2x8x120xi32, #tpu.memory_space<vmem>> -> memref<1x1x120xi32, #tpu.memory_space<vmem>>
      %dma_wait3A_206 = tpu.memref_squeeze %dma_wait3A_205 : memref<1x1x120xi32, #tpu.memory_space<vmem>> -> memref<120xi32, #tpu.memory_space<vmem>>
      %dma_wait3A_207 = arith.constant 0 : i32
      %dma_wait3A_208 = arith.constant 0 : i32
      %dma_wait3A_209 = tpu.memref_slice %arg2[%dma_wait3A_207, %dma_wait3A_208] : memref<10000x128xf32, #tpu.memory_space<hbm>> -> memref<10000x128xf32, #tpu.memory_space<hbm>>
      tpu.wait_indirect_dma semaphore(%arg12 : memref<!tpu.dma_semaphore, #tpu.memory_space<semaphore_mem>>) src(%dma_wait3A_209 : memref<10000x128xf32, #tpu.memory_space<hbm>>) dst(%dma_wait3A_203 : memref<120x128xf32, #tpu.memory_space<vmem>>)
      %run_scoped3A_210 = arith.constant 1 : i32
      %run_scoped3A_211 = arith.constant 1 : i32
      "tpu.region"() ({
        %run_scoped3A_226 = tpu.sem_alloc : memref<!tpu.dma_semaphore, #tpu.memory_space<semaphore_mem>>
        %dma_start3A_227 = arith.constant 0 : i32
        %dma_start3A_228 = arith.constant 0 : i32
        %dma_start3A_229 = tpu.memref_slice %arg9[%run_scoped3A_210, %dma_start3A_227, %dma_start3A_228] : memref<3x120x128xf32, #tpu.memory_space<vmem>> -> memref<1x120x128xf32, #tpu.memory_space<vmem>>
        %dma_start3A_230 = tpu.memref_squeeze %dma_start3A_229 : memref<1x120x128xf32, #tpu.memory_space<vmem>> -> memref<120x128xf32, #tpu.memory_space<vmem>>
        %dma_start3A_231 = arith.constant 0 : i32
        %dma_start3A_232 = tpu.memref_slice %arg8[%rem3A_76, %run_scoped3A_211, %dma_start3A_231] : memref<2x8x120xi32, #tpu.memory_space<vmem>> -> memref<1x1x120xi32, #tpu.memory_space<vmem>>
        %dma_start3A_233 = tpu.memref_squeeze %dma_start3A_232 : memref<1x1x120xi32, #tpu.memory_space<vmem>> -> memref<120xi32, #tpu.memory_space<vmem>>
        %dma_start3A_234 = arith.constant 0 : i32
        %dma_start3A_235 = arith.constant 0 : i32
        %dma_start3A_236 = tpu.memref_slice %arg10[%dma_start3A_234, %dma_start3A_235] : memref<10112x128xf32, #tpu.memory_space<vmem_shared>> -> memref<10112x128xf32, #tpu.memory_space<vmem_shared>>
        tpu.enqueue_indirect_dma source(%dma_start3A_230 : memref<120x128xf32, #tpu.memory_space<vmem>>) target(%dma_start3A_236 : memref<10112x128xf32, #tpu.memory_space<vmem_shared>>) offsets(%dma_start3A_233 : memref<120xi32, #tpu.memory_space<vmem>>) semaphore(%run_scoped3A_226 : memref<!tpu.dma_semaphore, #tpu.memory_space<semaphore_mem>>) {add = true}
        %dma_wait3A_237 = arith.constant 0 : i32
        %dma_wait3A_238 = arith.constant 0 : i32
        %dma_wait3A_239 = tpu.memref_slice %arg9[%run_scoped3A_210, %dma_wait3A_237, %dma_wait3A_238] : memref<3x120x128xf32, #tpu.memory_space<vmem>> -> memref<1x120x128xf32, #tpu.memory_space<vmem>>
        %dma_wait3A_240 = tpu.memref_squeeze %dma_wait3A_239 : memref<1x120x128xf32, #tpu.memory_space<vmem>> -> memref<120x128xf32, #tpu.memory_space<vmem>>
        %dma_wait3A_241 = arith.constant 0 : i32
        %dma_wait3A_242 = tpu.memref_slice %arg8[%rem3A_76, %run_scoped3A_211, %dma_wait3A_241] : memref<2x8x120xi32, #tpu.memory_space<vmem>> -> memref<1x1x120xi32, #tpu.memory_space<vmem>>
        %dma_wait3A_243 = tpu.memref_squeeze %dma_wait3A_242 : memref<1x1x120xi32, #tpu.memory_space<vmem>> -> memref<120xi32, #tpu.memory_space<vmem>>
        %dma_wait3A_244 = arith.constant 0 : i32
        %dma_wait3A_245 = arith.constant 0 : i32
        %dma_wait3A_246 = tpu.memref_slice %arg10[%dma_wait3A_244, %dma_wait3A_245] : memref<10112x128xf32, #tpu.memory_space<vmem_shared>> -> memref<10112x128xf32, #tpu.memory_space<vmem_shared>>
        tpu.wait_indirect_dma semaphore(%run_scoped3A_226 : memref<!tpu.dma_semaphore, #tpu.memory_space<semaphore_mem>>) src(%dma_wait3A_240 : memref<120x128xf32, #tpu.memory_space<vmem>>) dst(%dma_wait3A_246 : memref<10112x128xf32, #tpu.memory_space<vmem_shared>>)
        tpu.yield
      }) : () -> ()
      %dma_wait3A_212 = arith.constant 2 : i32
      %dma_wait3A_213 = arith.constant 2 : i32
      %dma_wait3A_214 = arith.constant 0 : i32
      %dma_wait3A_215 = arith.constant 0 : i32
      %dma_wait3A_216 = tpu.memref_slice %arg9[%dma_wait3A_213, %dma_wait3A_214, %dma_wait3A_215] : memref<3x120x128xf32, #tpu.memory_space<vmem>> -> memref<1x120x128xf32, #tpu.memory_space<vmem>>
      %dma_wait3A_217 = tpu.memref_squeeze %dma_wait3A_216 : memref<1x120x128xf32, #tpu.memory_space<vmem>> -> memref<120x128xf32, #tpu.memory_space<vmem>>
      %dma_wait3A_218 = arith.constant 0 : i32
      %dma_wait3A_219 = tpu.memref_slice %arg7[%rem3A_76, %dma_wait3A_212, %dma_wait3A_218] : memref<2x8x120xi32, #tpu.memory_space<vmem>> -> memref<1x1x120xi32, #tpu.memory_space<vmem>>
      %dma_wait3A_220 = tpu.memref_squeeze %dma_wait3A_219 : memref<1x1x120xi32, #tpu.memory_space<vmem>> -> memref<120xi32, #tpu.memory_space<vmem>>
      %dma_wait3A_221 = arith.constant 0 : i32
      %dma_wait3A_222 = arith.constant 0 : i32
      %dma_wait3A_223 = tpu.memref_slice %arg2[%dma_wait3A_221, %dma_wait3A_222] : memref<10000x128xf32, #tpu.memory_space<hbm>> -> memref<10000x128xf32, #tpu.memory_space<hbm>>
      tpu.wait_indirect_dma semaphore(%arg13 : memref<!tpu.dma_semaphore, #tpu.memory_space<semaphore_mem>>) src(%dma_wait3A_223 : memref<10000x128xf32, #tpu.memory_space<hbm>>) dst(%dma_wait3A_217 : memref<120x128xf32, #tpu.memory_space<vmem>>)
      %run_scoped3A_224 = arith.constant 2 : i32
      %run_scoped3A_225 = arith.constant 2 : i32
      "tpu.region"() ({
        %run_scoped3A_226 = tpu.sem_alloc : memref<!tpu.dma_semaphore, #tpu.memory_space<semaphore_mem>>
        %dma_start3A_227 = arith.constant 0 : i32
        %dma_start3A_228 = arith.constant 0 : i32
        %dma_start3A_229 = tpu.memref_slice %arg9[%run_scoped3A_224, %dma_start3A_227, %dma_start3A_228] : memref<3x120x128xf32, #tpu.memory_space<vmem>> -> memref<1x120x128xf32, #tpu.memory_space<vmem>>
        %dma_start3A_230 = tpu.memref_squeeze %dma_start3A_229 : memref<1x120x128xf32, #tpu.memory_space<vmem>> -> memref<120x128xf32, #tpu.memory_space<vmem>>
        %dma_start3A_231 = arith.constant 0 : i32
        %dma_start3A_232 = tpu.memref_slice %arg8[%rem3A_76, %run_scoped3A_225, %dma_start3A_231] : memref<2x8x120xi32, #tpu.memory_space<vmem>> -> memref<1x1x120xi32, #tpu.memory_space<vmem>>
        %dma_start3A_233 = tpu.memref_squeeze %dma_start3A_232 : memref<1x1x120xi32, #tpu.memory_space<vmem>> -> memref<120xi32, #tpu.memory_space<vmem>>
        %dma_start3A_234 = arith.constant 0 : i32
        %dma_start3A_235 = arith.constant 0 : i32
        %dma_start3A_236 = tpu.memref_slice %arg10[%dma_start3A_234, %dma_start3A_235] : memref<10112x128xf32, #tpu.memory_space<vmem_shared>> -> memref<10112x128xf32, #tpu.memory_space<vmem_shared>>
        tpu.enqueue_indirect_dma source(%dma_start3A_230 : memref<120x128xf32, #tpu.memory_space<vmem>>) target(%dma_start3A_236 : memref<10112x128xf32, #tpu.memory_space<vmem_shared>>) offsets(%dma_start3A_233 : memref<120xi32, #tpu.memory_space<vmem>>) semaphore(%run_scoped3A_226 : memref<!tpu.dma_semaphore, #tpu.memory_space<semaphore_mem>>) {add = true}
        %dma_wait3A_237 = arith.constant 0 : i32
        %dma_wait3A_238 = arith.constant 0 : i32
        %dma_wait3A_239 = tpu.memref_slice %arg9[%run_scoped3A_224, %dma_wait3A_237, %dma_wait3A_238] : memref<3x120x128xf32, #tpu.memory_space<vmem>> -> memref<1x120x128xf32, #tpu.memory_space<vmem>>
        %dma_wait3A_240 = tpu.memref_squeeze %dma_wait3A_239 : memref<1x120x128xf32, #tpu.memory_space<vmem>> -> memref<120x128xf32, #tpu.memory_space<vmem>>
        %dma_wait3A_241 = arith.constant 0 : i32
        %dma_wait3A_242 = tpu.memref_slice %arg8[%rem3A_76, %run_scoped3A_225, %dma_wait3A_241] : memref<2x8x120xi32, #tpu.memory_space<vmem>> -> memref<1x1x120xi32, #tpu.memory_space<vmem>>
        %dma_wait3A_243 = tpu.memref_squeeze %dma_wait3A_242 : memref<1x1x120xi32, #tpu.memory_space<vmem>> -> memref<120xi32, #tpu.memory_space<vmem>>
        %dma_wait3A_244 = arith.constant 0 : i32
        %dma_wait3A_245 = arith.constant 0 : i32
        %dma_wait3A_246 = tpu.memref_slice %arg10[%dma_wait3A_244, %dma_wait3A_245] : memref<10112x128xf32, #tpu.memory_space<vmem_shared>> -> memref<10112x128xf32, #tpu.memory_space<vmem_shared>>
        tpu.wait_indirect_dma semaphore(%run_scoped3A_226 : memref<!tpu.dma_semaphore, #tpu.memory_space<semaphore_mem>>) src(%dma_wait3A_240 : memref<120x128xf32, #tpu.memory_space<vmem>>) dst(%dma_wait3A_246 : memref<10112x128xf32, #tpu.memory_space<vmem_shared>>)
        tpu.yield
      }) : () -> ()
    }
    %scan3A_40 = arith.constant 29 : i32
    %dma_wait3A = arith.constant 1 : i32
    %dma_wait3A_41 = arith.constant 0 : i32
    %dma_wait3A_42 = arith.constant 0 : i32
    %dma_wait3A_43 = tpu.memref_slice %arg7[%dma_wait3A, %dma_wait3A_41, %dma_wait3A_42] : memref<2x8x120xi32, #tpu.memory_space<vmem>> -> memref<1x8x120xi32, #tpu.memory_space<vmem>>
    %dma_wait3A_44 = tpu.memref_squeeze %dma_wait3A_43 : memref<1x8x120xi32, #tpu.memory_space<vmem>> -> memref<8x120xi32, #tpu.memory_space<vmem>>
    %dma_wait3A_45 = arith.constant 232 : i32
    %dma_wait3A_46 = arith.constant 0 : i32
    %dma_wait3A_47 = tpu.memref_slice %arg3[%add3A, %dma_wait3A_45, %dma_wait3A_46] : memref<32x240x120xi32, #tpu.memory_space<hbm>> -> memref<1x8x120xi32, #tpu.memory_space<hbm>>
    %dma_wait3A_48 = tpu.memref_squeeze %dma_wait3A_47 : memref<1x8x120xi32, #tpu.memory_space<hbm>> -> memref<8x120xi32, #tpu.memory_space<hbm>>
    %dma_wait3A_49 = arith.constant 0 : i32
    %dma_wait3A_50 = arith.constant 0 : i32
    %dma_wait3A_51 = tpu.memref_slice %arg7[%dma_wait3A, %dma_wait3A_49, %dma_wait3A_50] : memref<2x8x120xi32, #tpu.memory_space<vmem>> -> memref<1x8x120xi32, #tpu.memory_space<vmem>>
    %dma_wait3A_52 = tpu.memref_squeeze %dma_wait3A_51 : memref<1x8x120xi32, #tpu.memory_space<vmem>> -> memref<8x120xi32, #tpu.memory_space<vmem>>
    %dma_wait3A_53 = arith.constant 232 : i32
    %dma_wait3A_54 = arith.constant 0 : i32
    %dma_wait3A_55 = tpu.memref_slice %arg3[%add3A, %dma_wait3A_53, %dma_wait3A_54] : memref<32x240x120xi32, #tpu.memory_space<hbm>> -> memref<1x8x120xi32, #tpu.memory_space<hbm>>
    %dma_wait3A_56 = tpu.memref_squeeze %dma_wait3A_55 : memref<1x8x120xi32, #tpu.memory_space<hbm>> -> memref<8x120xi32, #tpu.memory_space<hbm>>
    tpu.wait_dma2 semaphore(%arg14 : memref<!tpu.dma_semaphore, #tpu.memory_space<semaphore_mem>>) src(%dma_wait3A_56 : memref<8x120xi32, #tpu.memory_space<hbm>>) dst(%dma_wait3A_52 : memref<8x120xi32, #tpu.memory_space<vmem>>)
    %dma_wait3A_57 = arith.constant 1 : i32
    %dma_wait3A_58 = arith.constant 0 : i32
    %dma_wait3A_59 = arith.constant 0 : i32
    %dma_wait3A_60 = tpu.memref_slice %arg8[%dma_wait3A_57, %dma_wait3A_58, %dma_wait3A_59] : memref<2x8x120xi32, #tpu.memory_space<vmem>> -> memref<1x8x120xi32, #tpu.memory_space<vmem>>
    %dma_wait3A_61 = tpu.memref_squeeze %dma_wait3A_60 : memref<1x8x120xi32, #tpu.memory_space<vmem>> -> memref<8x120xi32, #tpu.memory_space<vmem>>
    %dma_wait3A_62 = arith.constant 232 : i32
    %dma_wait3A_63 = arith.constant 0 : i32
    %dma_wait3A_64 = tpu.memref_slice %arg4[%add3A, %dma_wait3A_62, %dma_wait3A_63] : memref<32x240x120xi32, #tpu.memory_space<hbm>> -> memref<1x8x120xi32, #tpu.memory_space<hbm>>
    %dma_wait3A_65 = tpu.memref_squeeze %dma_wait3A_64 : memref<1x8x120xi32, #tpu.memory_space<hbm>> -> memref<8x120xi32, #tpu.memory_space<hbm>>
    %dma_wait3A_66 = arith.constant 0 : i32
    %dma_wait3A_67 = arith.constant 0 : i32
    %dma_wait3A_68 = tpu.memref_slice %arg8[%dma_wait3A_57, %dma_wait3A_66, %dma_wait3A_67] : memref<2x8x120xi32, #tpu.memory_space<vmem>> -> memref<1x8x120xi32, #tpu.memory_space<vmem>>
    %dma_wait3A_69 = tpu.memref_squeeze %dma_wait3A_68 : memref<1x8x120xi32, #tpu.memory_space<vmem>> -> memref<8x120xi32, #tpu.memory_space<vmem>>
    %dma_wait3A_70 = arith.constant 232 : i32
    %dma_wait3A_71 = arith.constant 0 : i32
    %dma_wait3A_72 = tpu.memref_slice %arg4[%add3A, %dma_wait3A_70, %dma_wait3A_71] : memref<32x240x120xi32, #tpu.memory_space<hbm>> -> memref<1x8x120xi32, #tpu.memory_space<hbm>>
    %dma_wait3A_73 = tpu.memref_squeeze %dma_wait3A_72 : memref<1x8x120xi32, #tpu.memory_space<hbm>> -> memref<8x120xi32, #tpu.memory_space<hbm>>
    tpu.wait_dma2 semaphore(%arg15 : memref<!tpu.dma_semaphore, #tpu.memory_space<semaphore_mem>>) src(%dma_wait3A_73 : memref<8x120xi32, #tpu.memory_space<hbm>>) dst(%dma_wait3A_69 : memref<8x120xi32, #tpu.memory_space<vmem>>)
    %barrier3A_74 = arith.constant 0 : index
    tpu.barrier barrier_id(%barrier3A_74)
    "tpu.region"() ({
      %run_scoped3A = tpu.sem_alloc : memref<!tpu.dma_semaphore, #tpu.memory_space<semaphore_mem>>
      %dma_start3A_75 = arith.constant 0 : i32
      %dma_start3A_76 = tpu.memref_slice %arg6[%arg0, %mul3A_2, %dma_start3A_75] : memref<2x10112x128xf32, #tpu.memory_space<hbm>> -> memref<1x632x128xf32, #tpu.memory_space<hbm>>
      %dma_start3A_77 = tpu.memref_squeeze %dma_start3A_76 : memref<1x632x128xf32, #tpu.memory_space<hbm>> -> memref<632x128xf32, #tpu.memory_space<hbm>>
      %dma_start3A_78 = arith.constant 0 : i32
      %dma_start3A_79 = tpu.memref_slice %arg10[%mul3A_2, %dma_start3A_78] : memref<10112x128xf32, #tpu.memory_space<vmem_shared>> -> memref<632x128xf32, #tpu.memory_space<vmem_shared>>
      tpu.enqueue_dma source(%dma_start3A_79 : memref<632x128xf32, #tpu.memory_space<vmem_shared>>) target(%dma_start3A_77 : memref<632x128xf32, #tpu.memory_space<hbm>>) target_semaphore(%run_scoped3A : memref<!tpu.dma_semaphore, #tpu.memory_space<semaphore_mem>>)
      %dma_wait3A_80 = arith.constant 0 : i32
      %dma_wait3A_81 = tpu.memref_slice %arg6[%arg0, %mul3A_2, %dma_wait3A_80] : memref<2x10112x128xf32, #tpu.memory_space<hbm>> -> memref<1x632x128xf32, #tpu.memory_space<hbm>>
      %dma_wait3A_82 = tpu.memref_squeeze %dma_wait3A_81 : memref<1x632x128xf32, #tpu.memory_space<hbm>> -> memref<632x128xf32, #tpu.memory_space<hbm>>
      %dma_wait3A_83 = arith.constant 0 : i32
      %dma_wait3A_84 = tpu.memref_slice %arg10[%mul3A_2, %dma_wait3A_83] : memref<10112x128xf32, #tpu.memory_space<vmem_shared>> -> memref<632x128xf32, #tpu.memory_space<vmem_shared>>
      tpu.wait_dma2 semaphore(%run_scoped3A : memref<!tpu.dma_semaphore, #tpu.memory_space<semaphore_mem>>) src(%dma_wait3A_84 : memref<632x128xf32, #tpu.memory_space<vmem_shared>>) dst(%dma_wait3A_82 : memref<632x128xf32, #tpu.memory_space<hbm>>)
      tpu.yield
    }) : () -> ()
    return
  }
}

#map = affine_map<(d0, d1) -> (0, 0)>
#map1 = affine_map<(d0, d1) -> (0, 0, 0)>
module attributes {stable_mosaic.version = 14 : i64} {
  func.func @prop(%arg0: i32, %arg1: i32, %arg2: memref<10000x128xf32, #tpu.memory_space<hbm>>, %arg3: memref<32x240x120xi32, #tpu.memory_space<hbm>>, %arg4: memref<32x240x120xi32, #tpu.memory_space<hbm>>, %arg5: memref<632x128xf32, #tpu.memory_space<hbm>>, %arg6: memref<2x10112x128xf32, #tpu.memory_space<hbm>>, %arg7: memref<2x8x120xi32, #tpu.memory_space<vmem>>, %arg8: memref<2x8x120xi32, #tpu.memory_space<vmem>>, %arg9: memref<3x120x128xf32, #tpu.memory_space<vmem>>, %arg10: memref<10112x128xf32, #tpu.memory_space<vmem_shared>>, %arg11: memref<!tpu.dma_semaphore, #tpu.memory_space<semaphore_mem>>, %arg12: memref<!tpu.dma_semaphore, #tpu.memory_space<semaphore_mem>>, %arg13: memref<!tpu.dma_semaphore, #tpu.memory_space<semaphore_mem>>, %arg14: memref<!tpu.dma_semaphore, #tpu.memory_space<semaphore_mem>>, %arg15: memref<!tpu.dma_semaphore, #tpu.memory_space<semaphore_mem>>) attributes {dimension_semantics = [#tpu.dimension_semantics<core_parallel>, #tpu.dimension_semantics<subcore_parallel>], iteration_bounds = array<i64: 2, 16>, scalar_prefetch = 0 : i64, scratch_operands = 9 : i64, tpu.core_type = #tpu.core_type<sc_vector_subcore>, window_params = [{transform_indices = #map}, {transform_indices = #map1}, {transform_indices = #map1}, {transform_indices = #map}, {transform_indices = #map1}]} {
    %mul3A = arith.constant 16 : i32
    %mul3A_0 = arith.muli %arg0, %mul3A : i32
    %add3A = arith.addi %mul3A_0, %arg1 : i32
    %mul3A_1 = arith.constant 632 : i32
    %mul3A_2 = arith.muli %arg1, %mul3A_1 : i32
    %dma_start3A = arith.constant 0 : i32
    %dma_start3A_3 = arith.constant 0 : i32
    %dma_start3A_4 = arith.constant 0 : i32
    %dma_start3A_5 = tpu.memref_slice %arg7[%dma_start3A, %dma_start3A_3, %dma_start3A_4] : memref<2x8x120xi32, #tpu.memory_space<vmem>> -> memref<1x8x120xi32, #tpu.memory_space<vmem>>
    %dma_start3A_6 = tpu.memref_squeeze %dma_start3A_5 : memref<1x8x120xi32, #tpu.memory_space<vmem>> -> memref<8x120xi32, #tpu.memory_space<vmem>>
    %dma_start3A_7 = arith.constant 0 : i32
    %dma_start3A_8 = arith.constant 0 : i32
    %dma_start3A_9 = tpu.memref_slice %arg3[%add3A, %dma_start3A_7, %dma_start3A_8] : memref<32x240x120xi32, #tpu.memory_space<hbm>> -> memref<1x8x120xi32, #tpu.memory_space<hbm>>
    %dma_start3A_10 = tpu.memref_squeeze %dma_start3A_9 : memref<1x8x120xi32, #tpu.memory_space<hbm>> -> memref<8x120xi32, #tpu.memory_space<hbm>>
    %dma_start3A_11 = arith.constant 0 : i32
    %dma_start3A_12 = arith.constant 0 : i32
    %dma_start3A_13 = tpu.memref_slice %arg7[%dma_start3A, %dma_start3A_11, %dma_start3A_12] : memref<2x8x120xi32, #tpu.memory_space<vmem>> -> memref<1x8x120xi32, #tpu.memory_space<vmem>>
    %dma_start3A_14 = tpu.memref_squeeze %dma_start3A_13 : memref<1x8x120xi32, #tpu.memory_space<vmem>> -> memref<8x120xi32, #tpu.memory_space<vmem>>
    %dma_start3A_15 = arith.constant 0 : i32
    %dma_start3A_16 = arith.constant 0 : i32
    %dma_start3A_17 = tpu.memref_slice %arg3[%add3A, %dma_start3A_15, %dma_start3A_16] : memref<32x240x120xi32, #tpu.memory_space<hbm>> -> memref<1x8x120xi32, #tpu.memory_space<hbm>>
    %dma_start3A_18 = tpu.memref_squeeze %dma_start3A_17 : memref<1x8x120xi32, #tpu.memory_space<hbm>> -> memref<8x120xi32, #tpu.memory_space<hbm>>
    tpu.enqueue_dma source(%dma_start3A_18 : memref<8x120xi32, #tpu.memory_space<hbm>>) target(%dma_start3A_14 : memref<8x120xi32, #tpu.memory_space<vmem>>) target_semaphore(%arg14 : memref<!tpu.dma_semaphore, #tpu.memory_space<semaphore_mem>>)
    %dma_start3A_19 = arith.constant 0 : i32
    %dma_start3A_20 = arith.constant 0 : i32
    %dma_start3A_21 = arith.constant 0 : i32
    %dma_start3A_22 = tpu.memref_slice %arg8[%dma_start3A_19, %dma_start3A_20, %dma_start3A_21] : memref<2x8x120xi32, #tpu.memory_space<vmem>> -> memref<1x8x120xi32, #tpu.memory_space<vmem>>
    %dma_start3A_23 = tpu.memref_squeeze %dma_start3A_22 : memref<1x8x120xi32, #tpu.memory_space<vmem>> -> memref<8x120xi32, #tpu.memory_space<vmem>>
    %dma_start3A_24 = arith.constant 0 : i32
    %dma_start3A_25 = arith.constant 0 : i32
    %dma_start3A_26 = tpu.memref_slice %arg4[%add3A, %dma_start3A_24, %dma_start3A_25] : memref<32x240x120xi32, #tpu.memory_space<hbm>> -> memref<1x8x120xi32, #tpu.memory_space<hbm>>
    %dma_start3A_27 = tpu.memref_squeeze %dma_start3A_26 : memref<1x8x120xi32, #tpu.memory_space<hbm>> -> memref<8x120xi32, #tpu.memory_space<hbm>>
    %dma_start3A_28 = arith.constant 0 : i32
    %dma_start3A_29 = arith.constant 0 : i32
    %dma_start3A_30 = tpu.memref_slice %arg8[%dma_start3A_19, %dma_start3A_28, %dma_start3A_29] : memref<2x8x120xi32, #tpu.memory_space<vmem>> -> memref<1x8x120xi32, #tpu.memory_space<vmem>>
    %dma_start3A_31 = tpu.memref_squeeze %dma_start3A_30 : memref<1x8x120xi32, #tpu.memory_space<vmem>> -> memref<8x120xi32, #tpu.memory_space<vmem>>
    %dma_start3A_32 = arith.constant 0 : i32
    %dma_start3A_33 = arith.constant 0 : i32
    %dma_start3A_34 = tpu.memref_slice %arg4[%add3A, %dma_start3A_32, %dma_start3A_33] : memref<32x240x120xi32, #tpu.memory_space<hbm>> -> memref<1x8x120xi32, #tpu.memory_space<hbm>>
    %dma_start3A_35 = tpu.memref_squeeze %dma_start3A_34 : memref<1x8x120xi32, #tpu.memory_space<hbm>> -> memref<8x120xi32, #tpu.memory_space<hbm>>
    tpu.enqueue_dma source(%dma_start3A_35 : memref<8x120xi32, #tpu.memory_space<hbm>>) target(%dma_start3A_31 : memref<8x120xi32, #tpu.memory_space<vmem>>) target_semaphore(%arg15 : memref<!tpu.dma_semaphore, #tpu.memory_space<semaphore_mem>>)
    "tpu.region"() ({
      %run_scoped3A = tpu.sem_alloc : memref<!tpu.dma_semaphore, #tpu.memory_space<semaphore_mem>>
      %dma_start3A_75 = arith.constant 0 : i32
      %dma_start3A_76 = tpu.memref_slice %arg10[%mul3A_2, %dma_start3A_75] : memref<10112x128xf32, #tpu.memory_space<vmem_shared>> -> memref<632x128xf32, #tpu.memory_space<vmem_shared>>
      tpu.enqueue_dma source(%arg5 : memref<632x128xf32, #tpu.memory_space<hbm>>) target(%dma_start3A_76 : memref<632x128xf32, #tpu.memory_space<vmem_shared>>) target_semaphore(%run_scoped3A : memref<!tpu.dma_semaphore, #tpu.memory_space<semaphore_mem>>)
      %dma_wait3A_77 = arith.constant 0 : i32
      %dma_wait3A_78 = tpu.memref_slice %arg10[%mul3A_2, %dma_wait3A_77] : memref<10112x128xf32, #tpu.memory_space<vmem_shared>> -> memref<632x128xf32, #tpu.memory_space<vmem_shared>>
      tpu.wait_dma2 semaphore(%run_scoped3A : memref<!tpu.dma_semaphore, #tpu.memory_space<semaphore_mem>>) src(%arg5 : memref<632x128xf32, #tpu.memory_space<hbm>>) dst(%dma_wait3A_78 : memref<632x128xf32, #tpu.memory_space<vmem_shared>>)
      tpu.yield
    }) : () -> ()
    %barrier3A = arith.constant 0 : index
    tpu.barrier barrier_id(%barrier3A)
    %scan3A = arith.constant 0 : i32
    %scan3A_36 = arith.constant 0 : i32
    %scan3A_37 = arith.constant 29 : i32
    %scan3A_38 = arith.addi %scan3A_36, %scan3A_37 : i32
    %scan3A_39 = arith.constant 1 : i32
    scf.for %scan3A_75 = %scan3A_36 to %scan3A_38 step %scan3A_39  : i32 {
      %rem3A = arith.constant 2 : i32
      %rem3A_76 = arith.remsi %scan3A_75, %rem3A : i32
      %add3A_77 = arith.constant 1 : i32
      %add3A_78 = arith.addi %scan3A_75, %add3A_77 : i32
      %rem3A_79 = arith.constant 2 : i32
      %rem3A_80 = arith.remsi %add3A_78, %rem3A_79 : i32
      %mul3A_81 = arith.constant 8 : i32
      %mul3A_82 = arith.muli %scan3A_75, %mul3A_81 : i32
      %dma_wait3A_83 = arith.constant 0 : i32
      %dma_wait3A_84 = arith.constant 0 : i32
      %dma_wait3A_85 = tpu.memref_slice %arg7[%rem3A_76, %dma_wait3A_83, %dma_wait3A_84] : memref<2x8x120xi32, #tpu.memory_space<vmem>> -> memref<1x8x120xi32, #tpu.memory_space<vmem>>
      %dma_wait3A_86 = tpu.memref_squeeze %dma_wait3A_85 : memref<1x8x120xi32, #tpu.memory_space<vmem>> -> memref<8x120xi32, #tpu.memory_space<vmem>>
      %dma_wait3A_87 = arith.constant 0 : i32
      %dma_wait3A_88 = tpu.memref_slice %arg3[%add3A, %mul3A_82, %dma_wait3A_87] : memref<32x240x120xi32, #tpu.memory_space<hbm>> -> memref<1x8x120xi32, #tpu.memory_space<hbm>>
      %dma_wait3A_89 = tpu.memref_squeeze %dma_wait3A_88 : memref<1x8x120xi32, #tpu.memory_space<hbm>> -> memref<8x120xi32, #tpu.memory_space<hbm>>
      %dma_wait3A_90 = arith.constant 0 : i32
      %dma_wait3A_91 = arith.constant 0 : i32
      %dma_wait3A_92 = tpu.memref_slice %arg7[%rem3A_76, %dma_wait3A_90, %dma_wait3A_91] : memref<2x8x120xi32, #tpu.memory_space<vmem>> -> memref<1x8x120xi32, #tpu.memory_space<vmem>>
      %dma_wait3A_93 = tpu.memref_squeeze %dma_wait3A_92 : memref<1x8x120xi32, #tpu.memory_space<vmem>> -> memref<8x120xi32, #tpu.memory_space<vmem>>
      %dma_wait3A_94 = arith.constant 0 : i32
      %dma_wait3A_95 = tpu.memref_slice %arg3[%add3A, %mul3A_82, %dma_wait3A_94] : memref<32x240x120xi32, #tpu.memory_space<hbm>> -> memref<1x8x120xi32, #tpu.memory_space<hbm>>
      %dma_wait3A_96 = tpu.memref_squeeze %dma_wait3A_95 : memref<1x8x120xi32, #tpu.memory_space<hbm>> -> memref<8x120xi32, #tpu.memory_space<hbm>>
      tpu.wait_dma2 semaphore(%arg14 : memref<!tpu.dma_semaphore, #tpu.memory_space<semaphore_mem>>) src(%dma_wait3A_96 : memref<8x120xi32, #tpu.memory_space<hbm>>) dst(%dma_wait3A_93 : memref<8x120xi32, #tpu.memory_space<vmem>>)
      %mul3A_97 = arith.constant 8 : i32
      %mul3A_98 = arith.muli %scan3A_75, %mul3A_97 : i32
      %dma_wait3A_99 = arith.constant 0 : i32
      %dma_wait3A_100 = arith.constant 0 : i32
      %dma_wait3A_101 = tpu.memref_slice %arg8[%rem3A_76, %dma_wait3A_99, %dma_wait3A_100] : memref<2x8x120xi32, #tpu.memory_space<vmem>> -> memref<1x8x120xi32, #tpu.memory_space<vmem>>
      %dma_wait3A_102 = tpu.memref_squeeze %dma_wait3A_101 : memref<1x8x120xi32, #tpu.memory_space<vmem>> -> memref<8x120xi32, #tpu.memory_space<vmem>>
      %dma_wait3A_103 = arith.constant 0 : i32
      %dma_wait3A_104 = tpu.memref_slice %arg4[%add3A, %mul3A_98, %dma_wait3A_103] : memref<32x240x120xi32, #tpu.memory_space<hbm>> -> memref<1x8x120xi32, #tpu.memory_space<hbm>>
      %dma_wait3A_105 = tpu.memref_squeeze %dma_wait3A_104 : memref<1x8x120xi32, #tpu.memory_space<hbm>> -> memref<8x120xi32, #tpu.memory_space<hbm>>
      %dma_wait3A_106 = arith.constant 0 : i32
      %dma_wait3A_107 = arith.constant 0 : i32
      %dma_wait3A_108 = tpu.memref_slice %arg8[%rem3A_76, %dma_wait3A_106, %dma_wait3A_107] : memref<2x8x120xi32, #tpu.memory_space<vmem>> -> memref<1x8x120xi32, #tpu.memory_space<vmem>>
      %dma_wait3A_109 = tpu.memref_squeeze %dma_wait3A_108 : memref<1x8x120xi32, #tpu.memory_space<vmem>> -> memref<8x120xi32, #tpu.memory_space<vmem>>
      %dma_wait3A_110 = arith.constant 0 : i32
      %dma_wait3A_111 = tpu.memref_slice %arg4[%add3A, %mul3A_98, %dma_wait3A_110] : memref<32x240x120xi32, #tpu.memory_space<hbm>> -> memref<1x8x120xi32, #tpu.memory_space<hbm>>
      %dma_wait3A_112 = tpu.memref_squeeze %dma_wait3A_111 : memref<1x8x120xi32, #tpu.memory_space<hbm>> -> memref<8x120xi32, #tpu.memory_space<hbm>>
      tpu.wait_dma2 semaphore(%arg15 : memref<!tpu.dma_semaphore, #tpu.memory_space<semaphore_mem>>) src(%dma_wait3A_112 : memref<8x120xi32, #tpu.memory_space<hbm>>) dst(%dma_wait3A_109 : memref<8x120xi32, #tpu.memory_space<vmem>>)
      %add3A_113 = arith.constant 1 : i32
      %add3A_114 = arith.addi %scan3A_75, %add3A_113 : i32
      %mul3A_115 = arith.constant 8 : i32
      %mul3A_116 = arith.muli %add3A_114, %mul3A_115 : i32
      %dma_start3A_117 = arith.constant 0 : i32
      %dma_start3A_118 = arith.constant 0 : i32
      %dma_start3A_119 = tpu.memref_slice %arg7[%rem3A_80, %dma_start3A_117, %dma_start3A_118] : memref<2x8x120xi32, #tpu.memory_space<vmem>> -> memref<1x8x120xi32, #tpu.memory_space<vmem>>
      %dma_start3A_120 = tpu.memref_squeeze %dma_start3A_119 : memref<1x8x120xi32, #tpu.memory_space<vmem>> -> memref<8x120xi32, #tpu.memory_space<vmem>>
      %dma_start3A_121 = arith.constant 0 : i32
      %dma_start3A_122 = tpu.memref_slice %arg3[%add3A, %mul3A_116, %dma_start3A_121] : memref<32x240x120xi32, #tpu.memory_space<hbm>> -> memref<1x8x120xi32, #tpu.memory_space<hbm>>
      %dma_start3A_123 = tpu.memref_squeeze %dma_start3A_122 : memref<1x8x120xi32, #tpu.memory_space<hbm>> -> memref<8x120xi32, #tpu.memory_space<hbm>>
      %dma_start3A_124 = arith.constant 0 : i32
      %dma_start3A_125 = arith.constant 0 : i32
      %dma_start3A_126 = tpu.memref_slice %arg7[%rem3A_80, %dma_start3A_124, %dma_start3A_125] : memref<2x8x120xi32, #tpu.memory_space<vmem>> -> memref<1x8x120xi32, #tpu.memory_space<vmem>>
      %dma_start3A_127 = tpu.memref_squeeze %dma_start3A_126 : memref<1x8x120xi32, #tpu.memory_space<vmem>> -> memref<8x120xi32, #tpu.memory_space<vmem>>
      %dma_start3A_128 = arith.constant 0 : i32
      %dma_start3A_129 = tpu.memref_slice %arg3[%add3A, %mul3A_116, %dma_start3A_128] : memref<32x240x120xi32, #tpu.memory_space<hbm>> -> memref<1x8x120xi32, #tpu.memory_space<hbm>>
      %dma_start3A_130 = tpu.memref_squeeze %dma_start3A_129 : memref<1x8x120xi32, #tpu.memory_space<hbm>> -> memref<8x120xi32, #tpu.memory_space<hbm>>
      tpu.enqueue_dma source(%dma_start3A_130 : memref<8x120xi32, #tpu.memory_space<hbm>>) target(%dma_start3A_127 : memref<8x120xi32, #tpu.memory_space<vmem>>) target_semaphore(%arg14 : memref<!tpu.dma_semaphore, #tpu.memory_space<semaphore_mem>>)
      %add3A_131 = arith.constant 1 : i32
      %add3A_132 = arith.addi %scan3A_75, %add3A_131 : i32
      %mul3A_133 = arith.constant 8 : i32
      %mul3A_134 = arith.muli %add3A_132, %mul3A_133 : i32
      %dma_start3A_135 = arith.constant 0 : i32
      %dma_start3A_136 = arith.constant 0 : i32
      %dma_start3A_137 = tpu.memref_slice %arg8[%rem3A_80, %dma_start3A_135, %dma_start3A_136] : memref<2x8x120xi32, #tpu.memory_space<vmem>> -> memref<1x8x120xi32, #tpu.memory_space<vmem>>
      %dma_start3A_138 = tpu.memref_squeeze %dma_start3A_137 : memref<1x8x120xi32, #tpu.memory_space<vmem>> -> memref<8x120xi32, #tpu.memory_space<vmem>>
      %dma_start3A_139 = arith.constant 0 : i32
      %dma_start3A_140 = tpu.memref_slice %arg4[%add3A, %mul3A_134, %dma_start3A_139] : memref<32x240x120xi32, #tpu.memory_space<hbm>> -> memref<1x8x120xi32, #tpu.memory_space<hbm>>
      %dma_start3A_141 = tpu.memref_squeeze %dma_start3A_140 : memref<1x8x120xi32, #tpu.memory_space<hbm>> -> memref<8x120xi32, #tpu.memory_space<hbm>>
      %dma_start3A_142 = arith.constant 0 : i32
      %dma_start3A_143 = arith.constant 0 : i32
      %dma_start3A_144 = tpu.memref_slice %arg8[%rem3A_80, %dma_start3A_142, %dma_start3A_143] : memref<2x8x120xi32, #tpu.memory_space<vmem>> -> memref<1x8x120xi32, #tpu.memory_space<vmem>>
      %dma_start3A_145 = tpu.memref_squeeze %dma_start3A_144 : memref<1x8x120xi32, #tpu.memory_space<vmem>> -> memref<8x120xi32, #tpu.memory_space<vmem>>
      %dma_start3A_146 = arith.constant 0 : i32
      %dma_start3A_147 = tpu.memref_slice %arg4[%add3A, %mul3A_134, %dma_start3A_146] : memref<32x240x120xi32, #tpu.memory_space<hbm>> -> memref<1x8x120xi32, #tpu.memory_space<hbm>>
      %dma_start3A_148 = tpu.memref_squeeze %dma_start3A_147 : memref<1x8x120xi32, #tpu.memory_space<hbm>> -> memref<8x120xi32, #tpu.memory_space<hbm>>
      tpu.enqueue_dma source(%dma_start3A_148 : memref<8x120xi32, #tpu.memory_space<hbm>>) target(%dma_start3A_145 : memref<8x120xi32, #tpu.memory_space<vmem>>) target_semaphore(%arg15 : memref<!tpu.dma_semaphore, #tpu.memory_space<semaphore_mem>>)
      %dma_start3A_149 = arith.constant 0 : i32
      %dma_start3A_150 = arith.constant 0 : i32
      %dma_start3A_151 = arith.constant 0 : i32
      %dma_start3A_152 = arith.constant 0 : i32
      %dma_start3A_153 = tpu.memref_slice %arg9[%dma_start3A_150, %dma_start3A_151, %dma_start3A_152] : memref<3x120x128xf32, #tpu.memory_space<vmem>> -> memref<1x120x128xf32, #tpu.memory_space<vmem>>
      %dma_start3A_154 = tpu.memref_squeeze %dma_start3A_153 : memref<1x120x128xf32, #tpu.memory_space<vmem>> -> memref<120x128xf32, #tpu.memory_space<vmem>>
      %dma_start3A_155 = arith.constant 0 : i32
      %dma_start3A_156 = tpu.memref_slice %arg7[%rem3A_76, %dma_start3A_149, %dma_start3A_155] : memref<2x8x120xi32, #tpu.memory_space<vmem>> -> memref<1x1x120xi32, #tpu.memory_space<vmem>>
      %dma_start3A_157 = tpu.memref_squeeze %dma_start3A_156 : memref<1x1x120xi32, #tpu.memory_space<vmem>> -> memref<120xi32, #tpu.memory_space<vmem>>
      %dma_start3A_158 = arith.constant 0 : i32
      %dma_start3A_159 = arith.constant 0 : i32
      %dma_start3A_160 = tpu.memref_slice %arg2[%dma_start3A_158, %dma_start3A_159] : memref<10000x128xf32, #tpu.memory_space<hbm>> -> memref<10000x128xf32, #tpu.memory_space<hbm>>
      tpu.enqueue_indirect_dma source(%dma_start3A_160 : memref<10000x128xf32, #tpu.memory_space<hbm>>) target(%dma_start3A_154 : memref<120x128xf32, #tpu.memory_space<vmem>>) offsets(%dma_start3A_157 : memref<120xi32, #tpu.memory_space<vmem>>) semaphore(%arg11 : memref<!tpu.dma_semaphore, #tpu.memory_space<semaphore_mem>>)
      %dma_start3A_161 = arith.constant 1 : i32
      %dma_start3A_162 = arith.constant 1 : i32
      %dma_start3A_163 = arith.constant 0 : i32
      %dma_start3A_164 = arith.constant 0 : i32
      %dma_start3A_165 = tpu.memref_slice %arg9[%dma_start3A_162, %dma_start3A_163, %dma_start3A_164] : memref<3x120x128xf32, #tpu.memory_space<vmem>> -> memref<1x120x128xf32, #tpu.memory_space<vmem>>
      %dma_start3A_166 = tpu.memref_squeeze %dma_start3A_165 : memref<1x120x128xf32, #tpu.memory_space<vmem>> -> memref<120x128xf32, #tpu.memory_space<vmem>>
      %dma_start3A_167 = arith.constant 0 : i32
      %dma_start3A_168 = tpu.memref_slice %arg7[%rem3A_76, %dma_start3A_161, %dma_start3A_167] : memref<2x8x120xi32, #tpu.memory_space<vmem>> -> memref<1x1x120xi32, #tpu.memory_space<vmem>>
      %dma_start3A_169 = tpu.memref_squeeze %dma_start3A_168 : memref<1x1x120xi32, #tpu.memory_space<vmem>> -> memref<120xi32, #tpu.memory_space<vmem>>
      %dma_start3A_170 = arith.constant 0 : i32
      %dma_start3A_171 = arith.constant 0 : i32
      %dma_start3A_172 = tpu.memref_slice %arg2[%dma_start3A_170, %dma_start3A_171] : memref<10000x128xf32, #tpu.memory_space<hbm>> -> memref<10000x128xf32, #tpu.memory_space<hbm>>
      tpu.enqueue_indirect_dma source(%dma_start3A_172 : memref<10000x128xf32, #tpu.memory_space<hbm>>) target(%dma_start3A_166 : memref<120x128xf32, #tpu.memory_space<vmem>>) offsets(%dma_start3A_169 : memref<120xi32, #tpu.memory_space<vmem>>) semaphore(%arg12 : memref<!tpu.dma_semaphore, #tpu.memory_space<semaphore_mem>>)
      %dma_start3A_173 = arith.constant 2 : i32
      %dma_start3A_174 = arith.constant 2 : i32
      %dma_start3A_175 = arith.constant 0 : i32
      %dma_start3A_176 = arith.constant 0 : i32
      %dma_start3A_177 = tpu.memref_slice %arg9[%dma_start3A_174, %dma_start3A_175, %dma_start3A_176] : memref<3x120x128xf32, #tpu.memory_space<vmem>> -> memref<1x120x128xf32, #tpu.memory_space<vmem>>
      %dma_start3A_178 = tpu.memref_squeeze %dma_start3A_177 : memref<1x120x128xf32, #tpu.memory_space<vmem>> -> memref<120x128xf32, #tpu.memory_space<vmem>>
      %dma_start3A_179 = arith.constant 0 : i32
      %dma_start3A_180 = tpu.memref_slice %arg7[%rem3A_76, %dma_start3A_173, %dma_start3A_179] : memref<2x8x120xi32, #tpu.memory_space<vmem>> -> memref<1x1x120xi32, #tpu.memory_space<vmem>>
      %dma_start3A_181 = tpu.memref_squeeze %dma_start3A_180 : memref<1x1x120xi32, #tpu.memory_space<vmem>> -> memref<120xi32, #tpu.memory_space<vmem>>
      %dma_start3A_182 = arith.constant 0 : i32
      %dma_start3A_183 = arith.constant 0 : i32
      %dma_start3A_184 = tpu.memref_slice %arg2[%dma_start3A_182, %dma_start3A_183] : memref<10000x128xf32, #tpu.memory_space<hbm>> -> memref<10000x128xf32, #tpu.memory_space<hbm>>
      tpu.enqueue_indirect_dma source(%dma_start3A_184 : memref<10000x128xf32, #tpu.memory_space<hbm>>) target(%dma_start3A_178 : memref<120x128xf32, #tpu.memory_space<vmem>>) offsets(%dma_start3A_181 : memref<120xi32, #tpu.memory_space<vmem>>) semaphore(%arg13 : memref<!tpu.dma_semaphore, #tpu.memory_space<semaphore_mem>>)
      %dma_wait3A_185 = arith.constant 0 : i32
      %dma_wait3A_186 = arith.constant 0 : i32
      %dma_wait3A_187 = arith.constant 0 : i32
      %dma_wait3A_188 = arith.constant 0 : i32
      %dma_wait3A_189 = tpu.memref_slice %arg9[%dma_wait3A_186, %dma_wait3A_187, %dma_wait3A_188] : memref<3x120x128xf32, #tpu.memory_space<vmem>> -> memref<1x120x128xf32, #tpu.memory_space<vmem>>
      %dma_wait3A_190 = tpu.memref_squeeze %dma_wait3A_189 : memref<1x120x128xf32, #tpu.memory_space<vmem>> -> memref<120x128xf32, #tpu.memory_space<vmem>>
      %dma_wait3A_191 = arith.constant 0 : i32
      %dma_wait3A_192 = tpu.memref_slice %arg7[%rem3A_76, %dma_wait3A_185, %dma_wait3A_191] : memref<2x8x120xi32, #tpu.memory_space<vmem>> -> memref<1x1x120xi32, #tpu.memory_space<vmem>>
      %dma_wait3A_193 = tpu.memref_squeeze %dma_wait3A_192 : memref<1x1x120xi32, #tpu.memory_space<vmem>> -> memref<120xi32, #tpu.memory_space<vmem>>
      %dma_wait3A_194 = arith.constant 0 : i32
      %dma_wait3A_195 = arith.constant 0 : i32
      %dma_wait3A_196 = tpu.memref_slice %arg2[%dma_wait3A_194, %dma_wait3A_195] : memref<10000x128xf32, #tpu.memory_space<hbm>> -> memref<10000x128xf32, #tpu.memory_space<hbm>>
      tpu.wait_indirect_dma semaphore(%arg11 : memref<!tpu.dma_semaphore, #tpu.memory_space<semaphore_mem>>) src(%dma_wait3A_196 : memref<10000x128xf32, #tpu.memory_space<hbm>>) dst(%dma_wait3A_190 : memref<120x128xf32, #tpu.memory_space<vmem>>)
      %run_scoped3A = arith.constant 0 : i32
      %run_scoped3A_197 = arith.constant 0 : i32
      "tpu.region"() ({
        %run_scoped3A_226 = tpu.sem_alloc : memref<!tpu.dma_semaphore, #tpu.memory_space<semaphore_mem>>
        %dma_start3A_227 = arith.constant 0 : i32
        %dma_start3A_228 = arith.constant 0 : i32
        %dma_start3A_229 = tpu.memref_slice %arg9[%run_scoped3A, %dma_start3A_227, %dma_start3A_228] : memref<3x120x128xf32, #tpu.memory_space<vmem>> -> memref<1x120x128xf32, #tpu.memory_space<vmem>>
        %dma_start3A_230 = tpu.memref_squeeze %dma_start3A_229 : memref<1x120x128xf32, #tpu.memory_space<vmem>> -> memref<120x128xf32, #tpu.memory_space<vmem>>
        %dma_start3A_231 = arith.constant 0 : i32
        %dma_start3A_232 = tpu.memref_slice %arg8[%rem3A_76, %run_scoped3A_197, %dma_start3A_231] : memref<2x8x120xi32, #tpu.memory_space<vmem>> -> memref<1x1x120xi32, #tpu.memory_space<vmem>>
        %dma_start3A_233 = tpu.memref_squeeze %dma_start3A_232 : memref<1x1x120xi32, #tpu.memory_space<vmem>> -> memref<120xi32, #tpu.memory_space<vmem>>
        %dma_start3A_234 = arith.constant 0 : i32
        %dma_start3A_235 = arith.constant 0 : i32
        %dma_start3A_236 = tpu.memref_slice %arg10[%dma_start3A_234, %dma_start3A_235] : memref<10112x128xf32, #tpu.memory_space<vmem_shared>> -> memref<10112x128xf32, #tpu.memory_space<vmem_shared>>
        tpu.enqueue_indirect_dma source(%dma_start3A_230 : memref<120x128xf32, #tpu.memory_space<vmem>>) target(%dma_start3A_236 : memref<10112x128xf32, #tpu.memory_space<vmem_shared>>) offsets(%dma_start3A_233 : memref<120xi32, #tpu.memory_space<vmem>>) semaphore(%run_scoped3A_226 : memref<!tpu.dma_semaphore, #tpu.memory_space<semaphore_mem>>) {add = true}
        %dma_wait3A_237 = arith.constant 0 : i32
        %dma_wait3A_238 = arith.constant 0 : i32
        %dma_wait3A_239 = tpu.memref_slice %arg9[%run_scoped3A, %dma_wait3A_237, %dma_wait3A_238] : memref<3x120x128xf32, #tpu.memory_space<vmem>> -> memref<1x120x128xf32, #tpu.memory_space<vmem>>
        %dma_wait3A_240 = tpu.memref_squeeze %dma_wait3A_239 : memref<1x120x128xf32, #tpu.memory_space<vmem>> -> memref<120x128xf32, #tpu.memory_space<vmem>>
        %dma_wait3A_241 = arith.constant 0 : i32
        %dma_wait3A_242 = tpu.memref_slice %arg8[%rem3A_76, %run_scoped3A_197, %dma_wait3A_241] : memref<2x8x120xi32, #tpu.memory_space<vmem>> -> memref<1x1x120xi32, #tpu.memory_space<vmem>>
        %dma_wait3A_243 = tpu.memref_squeeze %dma_wait3A_242 : memref<1x1x120xi32, #tpu.memory_space<vmem>> -> memref<120xi32, #tpu.memory_space<vmem>>
        %dma_wait3A_244 = arith.constant 0 : i32
        %dma_wait3A_245 = arith.constant 0 : i32
        %dma_wait3A_246 = tpu.memref_slice %arg10[%dma_wait3A_244, %dma_wait3A_245] : memref<10112x128xf32, #tpu.memory_space<vmem_shared>> -> memref<10112x128xf32, #tpu.memory_space<vmem_shared>>
        tpu.wait_indirect_dma semaphore(%run_scoped3A_226 : memref<!tpu.dma_semaphore, #tpu.memory_space<semaphore_mem>>) src(%dma_wait3A_240 : memref<120x128xf32, #tpu.memory_space<vmem>>) dst(%dma_wait3A_246 : memref<10112x128xf32, #tpu.memory_space<vmem_shared>>)
        tpu.yield
      }) : () -> ()
      %dma_wait3A_198 = arith.constant 1 : i32
      %dma_wait3A_199 = arith.constant 1 : i32
      %dma_wait3A_200 = arith.constant 0 : i32
      %dma_wait3A_201 = arith.constant 0 : i32
      %dma_wait3A_202 = tpu.memref_slice %arg9[%dma_wait3A_199, %dma_wait3A_200, %dma_wait3A_201] : memref<3x120x128xf32, #tpu.memory_space<vmem>> -> memref<1x120x128xf32, #tpu.memory_space<vmem>>
      %dma_wait3A_203 = tpu.memref_squeeze %dma_wait3A_202 : memref<1x120x128xf32, #tpu.memory_space<vmem>> -> memref<120x128xf32, #tpu.memory_space<vmem>>
      %dma_wait3A_204 = arith.constant 0 : i32
      %dma_wait3A_205 = tpu.memref_slice %arg7[%rem3A_76, %dma_wait3A_198, %dma_wait3A_204] : memref<2x8x120xi32, #tpu.memory_space<vmem>> -> memref<1x1x120xi32, #tpu.memory_space<vmem>>
      %dma_wait3A_206 = tpu.memref_squeeze %dma_wait3A_205 : memref<1x1x120xi32, #tpu.memory_space<vmem>> -> memref<120xi32, #tpu.memory_space<vmem>>
      %dma_wait3A_207 = arith.constant 0 : i32
      %dma_wait3A_208 = arith.constant 0 : i32
      %dma_wait3A_209 = tpu.memref_slice %arg2[%dma_wait3A_207, %dma_wait3A_208] : memref<10000x128xf32, #tpu.memory_space<hbm>> -> memref<10000x128xf32, #tpu.memory_space<hbm>>
      tpu.wait_indirect_dma semaphore(%arg12 : memref<!tpu.dma_semaphore, #tpu.memory_space<semaphore_mem>>) src(%dma_wait3A_209 : memref<10000x128xf32, #tpu.memory_space<hbm>>) dst(%dma_wait3A_203 : memref<120x128xf32, #tpu.memory_space<vmem>>)
      %run_scoped3A_210 = arith.constant 1 : i32
      %run_scoped3A_211 = arith.constant 1 : i32
      "tpu.region"() ({
        %run_scoped3A_226 = tpu.sem_alloc : memref<!tpu.dma_semaphore, #tpu.memory_space<semaphore_mem>>
        %dma_start3A_227 = arith.constant 0 : i32
        %dma_start3A_228 = arith.constant 0 : i32
        %dma_start3A_229 = tpu.memref_slice %arg9[%run_scoped3A_210, %dma_start3A_227, %dma_start3A_228] : memref<3x120x128xf32, #tpu.memory_space<vmem>> -> memref<1x120x128xf32, #tpu.memory_space<vmem>>
        %dma_start3A_230 = tpu.memref_squeeze %dma_start3A_229 : memref<1x120x128xf32, #tpu.memory_space<vmem>> -> memref<120x128xf32, #tpu.memory_space<vmem>>
        %dma_start3A_231 = arith.constant 0 : i32
        %dma_start3A_232 = tpu.memref_slice %arg8[%rem3A_76, %run_scoped3A_211, %dma_start3A_231] : memref<2x8x120xi32, #tpu.memory_space<vmem>> -> memref<1x1x120xi32, #tpu.memory_space<vmem>>
        %dma_start3A_233 = tpu.memref_squeeze %dma_start3A_232 : memref<1x1x120xi32, #tpu.memory_space<vmem>> -> memref<120xi32, #tpu.memory_space<vmem>>
        %dma_start3A_234 = arith.constant 0 : i32
        %dma_start3A_235 = arith.constant 0 : i32
        %dma_start3A_236 = tpu.memref_slice %arg10[%dma_start3A_234, %dma_start3A_235] : memref<10112x128xf32, #tpu.memory_space<vmem_shared>> -> memref<10112x128xf32, #tpu.memory_space<vmem_shared>>
        tpu.enqueue_indirect_dma source(%dma_start3A_230 : memref<120x128xf32, #tpu.memory_space<vmem>>) target(%dma_start3A_236 : memref<10112x128xf32, #tpu.memory_space<vmem_shared>>) offsets(%dma_start3A_233 : memref<120xi32, #tpu.memory_space<vmem>>) semaphore(%run_scoped3A_226 : memref<!tpu.dma_semaphore, #tpu.memory_space<semaphore_mem>>) {add = true}
        %dma_wait3A_237 = arith.constant 0 : i32
        %dma_wait3A_238 = arith.constant 0 : i32
        %dma_wait3A_239 = tpu.memref_slice %arg9[%run_scoped3A_210, %dma_wait3A_237, %dma_wait3A_238] : memref<3x120x128xf32, #tpu.memory_space<vmem>> -> memref<1x120x128xf32, #tpu.memory_space<vmem>>
        %dma_wait3A_240 = tpu.memref_squeeze %dma_wait3A_239 : memref<1x120x128xf32, #tpu.memory_space<vmem>> -> memref<120x128xf32, #tpu.memory_space<vmem>>
        %dma_wait3A_241 = arith.constant 0 : i32
        %dma_wait3A_242 = tpu.memref_slice %arg8[%rem3A_76, %run_scoped3A_211, %dma_wait3A_241] : memref<2x8x120xi32, #tpu.memory_space<vmem>> -> memref<1x1x120xi32, #tpu.memory_space<vmem>>
        %dma_wait3A_243 = tpu.memref_squeeze %dma_wait3A_242 : memref<1x1x120xi32, #tpu.memory_space<vmem>> -> memref<120xi32, #tpu.memory_space<vmem>>
        %dma_wait3A_244 = arith.constant 0 : i32
        %dma_wait3A_245 = arith.constant 0 : i32
        %dma_wait3A_246 = tpu.memref_slice %arg10[%dma_wait3A_244, %dma_wait3A_245] : memref<10112x128xf32, #tpu.memory_space<vmem_shared>> -> memref<10112x128xf32, #tpu.memory_space<vmem_shared>>
        tpu.wait_indirect_dma semaphore(%run_scoped3A_226 : memref<!tpu.dma_semaphore, #tpu.memory_space<semaphore_mem>>) src(%dma_wait3A_240 : memref<120x128xf32, #tpu.memory_space<vmem>>) dst(%dma_wait3A_246 : memref<10112x128xf32, #tpu.memory_space<vmem_shared>>)
        tpu.yield
      }) : () -> ()
      %dma_wait3A_212 = arith.constant 2 : i32
      %dma_wait3A_213 = arith.constant 2 : i32
      %dma_wait3A_214 = arith.constant 0 : i32
      %dma_wait3A_215 = arith.constant 0 : i32
      %dma_wait3A_216 = tpu.memref_slice %arg9[%dma_wait3A_213, %dma_wait3A_214, %dma_wait3A_215] : memref<3x120x128xf32, #tpu.memory_space<vmem>> -> memref<1x120x128xf32, #tpu.memory_space<vmem>>
      %dma_wait3A_217 = tpu.memref_squeeze %dma_wait3A_216 : memref<1x120x128xf32, #tpu.memory_space<vmem>> -> memref<120x128xf32, #tpu.memory_space<vmem>>
      %dma_wait3A_218 = arith.constant 0 : i32
      %dma_wait3A_219 = tpu.memref_slice %arg7[%rem3A_76, %dma_wait3A_212, %dma_wait3A_218] : memref<2x8x120xi32, #tpu.memory_space<vmem>> -> memref<1x1x120xi32, #tpu.memory_space<vmem>>
      %dma_wait3A_220 = tpu.memref_squeeze %dma_wait3A_219 : memref<1x1x120xi32, #tpu.memory_space<vmem>> -> memref<120xi32, #tpu.memory_space<vmem>>
      %dma_wait3A_221 = arith.constant 0 : i32
      %dma_wait3A_222 = arith.constant 0 : i32
      %dma_wait3A_223 = tpu.memref_slice %arg2[%dma_wait3A_221, %dma_wait3A_222] : memref<10000x128xf32, #tpu.memory_space<hbm>> -> memref<10000x128xf32, #tpu.memory_space<hbm>>
      tpu.wait_indirect_dma semaphore(%arg13 : memref<!tpu.dma_semaphore, #tpu.memory_space<semaphore_mem>>) src(%dma_wait3A_223 : memref<10000x128xf32, #tpu.memory_space<hbm>>) dst(%dma_wait3A_217 : memref<120x128xf32, #tpu.memory_space<vmem>>)
      %run_scoped3A_224 = arith.constant 2 : i32
      %run_scoped3A_225 = arith.constant 2 : i32
      "tpu.region"() ({
        %run_scoped3A_226 = tpu.sem_alloc : memref<!tpu.dma_semaphore, #tpu.memory_space<semaphore_mem>>
        %dma_start3A_227 = arith.constant 0 : i32
        %dma_start3A_228 = arith.constant 0 : i32
        %dma_start3A_229 = tpu.memref_slice %arg9[%run_scoped3A_224, %dma_start3A_227, %dma_start3A_228] : memref<3x120x128xf32, #tpu.memory_space<vmem>> -> memref<1x120x128xf32, #tpu.memory_space<vmem>>
        %dma_start3A_230 = tpu.memref_squeeze %dma_start3A_229 : memref<1x120x128xf32, #tpu.memory_space<vmem>> -> memref<120x128xf32, #tpu.memory_space<vmem>>
        %dma_start3A_231 = arith.constant 0 : i32
        %dma_start3A_232 = tpu.memref_slice %arg8[%rem3A_76, %run_scoped3A_225, %dma_start3A_231] : memref<2x8x120xi32, #tpu.memory_space<vmem>> -> memref<1x1x120xi32, #tpu.memory_space<vmem>>
        %dma_start3A_233 = tpu.memref_squeeze %dma_start3A_232 : memref<1x1x120xi32, #tpu.memory_space<vmem>> -> memref<120xi32, #tpu.memory_space<vmem>>
        %dma_start3A_234 = arith.constant 0 : i32
        %dma_start3A_235 = arith.constant 0 : i32
        %dma_start3A_236 = tpu.memref_slice %arg10[%dma_start3A_234, %dma_start3A_235] : memref<10112x128xf32, #tpu.memory_space<vmem_shared>> -> memref<10112x128xf32, #tpu.memory_space<vmem_shared>>
        tpu.enqueue_indirect_dma source(%dma_start3A_230 : memref<120x128xf32, #tpu.memory_space<vmem>>) target(%dma_start3A_236 : memref<10112x128xf32, #tpu.memory_space<vmem_shared>>) offsets(%dma_start3A_233 : memref<120xi32, #tpu.memory_space<vmem>>) semaphore(%run_scoped3A_226 : memref<!tpu.dma_semaphore, #tpu.memory_space<semaphore_mem>>) {add = true}
        %dma_wait3A_237 = arith.constant 0 : i32
        %dma_wait3A_238 = arith.constant 0 : i32
        %dma_wait3A_239 = tpu.memref_slice %arg9[%run_scoped3A_224, %dma_wait3A_237, %dma_wait3A_238] : memref<3x120x128xf32, #tpu.memory_space<vmem>> -> memref<1x120x128xf32, #tpu.memory_space<vmem>>
        %dma_wait3A_240 = tpu.memref_squeeze %dma_wait3A_239 : memref<1x120x128xf32, #tpu.memory_space<vmem>> -> memref<120x128xf32, #tpu.memory_space<vmem>>
        %dma_wait3A_241 = arith.constant 0 : i32
        %dma_wait3A_242 = tpu.memref_slice %arg8[%rem3A_76, %run_scoped3A_225, %dma_wait3A_241] : memref<2x8x120xi32, #tpu.memory_space<vmem>> -> memref<1x1x120xi32, #tpu.memory_space<vmem>>
        %dma_wait3A_243 = tpu.memref_squeeze %dma_wait3A_242 : memref<1x1x120xi32, #tpu.memory_space<vmem>> -> memref<120xi32, #tpu.memory_space<vmem>>
        %dma_wait3A_244 = arith.constant 0 : i32
        %dma_wait3A_245 = arith.constant 0 : i32
        %dma_wait3A_246 = tpu.memref_slice %arg10[%dma_wait3A_244, %dma_wait3A_245] : memref<10112x128xf32, #tpu.memory_space<vmem_shared>> -> memref<10112x128xf32, #tpu.memory_space<vmem_shared>>
        tpu.wait_indirect_dma semaphore(%run_scoped3A_226 : memref<!tpu.dma_semaphore, #tpu.memory_space<semaphore_mem>>) src(%dma_wait3A_240 : memref<120x128xf32, #tpu.memory_space<vmem>>) dst(%dma_wait3A_246 : memref<10112x128xf32, #tpu.memory_space<vmem_shared>>)
        tpu.yield
      }) : () -> ()
    }
    %scan3A_40 = arith.constant 29 : i32
    %dma_wait3A = arith.constant 1 : i32
    %dma_wait3A_41 = arith.constant 0 : i32
    %dma_wait3A_42 = arith.constant 0 : i32
    %dma_wait3A_43 = tpu.memref_slice %arg7[%dma_wait3A, %dma_wait3A_41, %dma_wait3A_42] : memref<2x8x120xi32, #tpu.memory_space<vmem>> -> memref<1x8x120xi32, #tpu.memory_space<vmem>>
    %dma_wait3A_44 = tpu.memref_squeeze %dma_wait3A_43 : memref<1x8x120xi32, #tpu.memory_space<vmem>> -> memref<8x120xi32, #tpu.memory_space<vmem>>
    %dma_wait3A_45 = arith.constant 232 : i32
    %dma_wait3A_46 = arith.constant 0 : i32
    %dma_wait3A_47 = tpu.memref_slice %arg3[%add3A, %dma_wait3A_45, %dma_wait3A_46] : memref<32x240x120xi32, #tpu.memory_space<hbm>> -> memref<1x8x120xi32, #tpu.memory_space<hbm>>
    %dma_wait3A_48 = tpu.memref_squeeze %dma_wait3A_47 : memref<1x8x120xi32, #tpu.memory_space<hbm>> -> memref<8x120xi32, #tpu.memory_space<hbm>>
    %dma_wait3A_49 = arith.constant 0 : i32
    %dma_wait3A_50 = arith.constant 0 : i32
    %dma_wait3A_51 = tpu.memref_slice %arg7[%dma_wait3A, %dma_wait3A_49, %dma_wait3A_50] : memref<2x8x120xi32, #tpu.memory_space<vmem>> -> memref<1x8x120xi32, #tpu.memory_space<vmem>>
    %dma_wait3A_52 = tpu.memref_squeeze %dma_wait3A_51 : memref<1x8x120xi32, #tpu.memory_space<vmem>> -> memref<8x120xi32, #tpu.memory_space<vmem>>
    %dma_wait3A_53 = arith.constant 232 : i32
    %dma_wait3A_54 = arith.constant 0 : i32
    %dma_wait3A_55 = tpu.memref_slice %arg3[%add3A, %dma_wait3A_53, %dma_wait3A_54] : memref<32x240x120xi32, #tpu.memory_space<hbm>> -> memref<1x8x120xi32, #tpu.memory_space<hbm>>
    %dma_wait3A_56 = tpu.memref_squeeze %dma_wait3A_55 : memref<1x8x120xi32, #tpu.memory_space<hbm>> -> memref<8x120xi32, #tpu.memory_space<hbm>>
    tpu.wait_dma2 semaphore(%arg14 : memref<!tpu.dma_semaphore, #tpu.memory_space<semaphore_mem>>) src(%dma_wait3A_56 : memref<8x120xi32, #tpu.memory_space<hbm>>) dst(%dma_wait3A_52 : memref<8x120xi32, #tpu.memory_space<vmem>>)
    %dma_wait3A_57 = arith.constant 1 : i32
    %dma_wait3A_58 = arith.constant 0 : i32
    %dma_wait3A_59 = arith.constant 0 : i32
    %dma_wait3A_60 = tpu.memref_slice %arg8[%dma_wait3A_57, %dma_wait3A_58, %dma_wait3A_59] : memref<2x8x120xi32, #tpu.memory_space<vmem>> -> memref<1x8x120xi32, #tpu.memory_space<vmem>>
    %dma_wait3A_61 = tpu.memref_squeeze %dma_wait3A_60 : memref<1x8x120xi32, #tpu.memory_space<vmem>> -> memref<8x120xi32, #tpu.memory_space<vmem>>
    %dma_wait3A_62 = arith.constant 232 : i32
    %dma_wait3A_63 = arith.constant 0 : i32
    %dma_wait3A_64 = tpu.memref_slice %arg4[%add3A, %dma_wait3A_62, %dma_wait3A_63] : memref<32x240x120xi32, #tpu.memory_space<hbm>> -> memref<1x8x120xi32, #tpu.memory_space<hbm>>
    %dma_wait3A_65 = tpu.memref_squeeze %dma_wait3A_64 : memref<1x8x120xi32, #tpu.memory_space<hbm>> -> memref<8x120xi32, #tpu.memory_space<hbm>>
    %dma_wait3A_66 = arith.constant 0 : i32
    %dma_wait3A_67 = arith.constant 0 : i32
    %dma_wait3A_68 = tpu.memref_slice %arg8[%dma_wait3A_57, %dma_wait3A_66, %dma_wait3A_67] : memref<2x8x120xi32, #tpu.memory_space<vmem>> -> memref<1x8x120xi32, #tpu.memory_space<vmem>>
    %dma_wait3A_69 = tpu.memref_squeeze %dma_wait3A_68 : memref<1x8x120xi32, #tpu.memory_space<vmem>> -> memref<8x120xi32, #tpu.memory_space<vmem>>
    %dma_wait3A_70 = arith.constant 232 : i32
    %dma_wait3A_71 = arith.constant 0 : i32
    %dma_wait3A_72 = tpu.memref_slice %arg4[%add3A, %dma_wait3A_70, %dma_wait3A_71] : memref<32x240x120xi32, #tpu.memory_space<hbm>> -> memref<1x8x120xi32, #tpu.memory_space<hbm>>
    %dma_wait3A_73 = tpu.memref_squeeze %dma_wait3A_72 : memref<1x8x120xi32, #tpu.memory_space<hbm>> -> memref<8x120xi32, #tpu.memory_space<hbm>>
    tpu.wait_dma2 semaphore(%arg15 : memref<!tpu.dma_semaphore, #tpu.memory_space<semaphore_mem>>) src(%dma_wait3A_73 : memref<8x120xi32, #tpu.memory_space<hbm>>) dst(%dma_wait3A_69 : memref<8x120xi32, #tpu.memory_space<vmem>>)
    %barrier3A_74 = arith.constant 0 : index
    tpu.barrier barrier_id(%barrier3A_74)
    "tpu.region"() ({
      %run_scoped3A = tpu.sem_alloc : memref<!tpu.dma_semaphore, #tpu.memory_space<semaphore_mem>>
      %dma_start3A_75 = arith.constant 0 : i32
      %dma_start3A_76 = tpu.memref_slice %arg6[%arg0, %mul3A_2, %dma_start3A_75] : memref<2x10112x128xf32, #tpu.memory_space<hbm>> -> memref<1x632x128xf32, #tpu.memory_space<hbm>>
      %dma_start3A_77 = tpu.memref_squeeze %dma_start3A_76 : memref<1x632x128xf32, #tpu.memory_space<hbm>> -> memref<632x128xf32, #tpu.memory_space<hbm>>
      %dma_start3A_78 = arith.constant 0 : i32
      %dma_start3A_79 = tpu.memref_slice %arg10[%mul3A_2, %dma_start3A_78] : memref<10112x128xf32, #tpu.memory_space<vmem_shared>> -> memref<632x128xf32, #tpu.memory_space<vmem_shared>>
      tpu.enqueue_dma source(%dma_start3A_79 : memref<632x128xf32, #tpu.memory_space<vmem_shared>>) target(%dma_start3A_77 : memref<632x128xf32, #tpu.memory_space<hbm>>) target_semaphore(%run_scoped3A : memref<!tpu.dma_semaphore, #tpu.memory_space<semaphore_mem>>)
      %dma_wait3A_80 = arith.constant 0 : i32
      %dma_wait3A_81 = tpu.memref_slice %arg6[%arg0, %mul3A_2, %dma_wait3A_80] : memref<2x10112x128xf32, #tpu.memory_space<hbm>> -> memref<1x632x128xf32, #tpu.memory_space<hbm>>
      %dma_wait3A_82 = tpu.memref_squeeze %dma_wait3A_81 : memref<1x632x128xf32, #tpu.memory_space<hbm>> -> memref<632x128xf32, #tpu.memory_space<hbm>>
      %dma_wait3A_83 = arith.constant 0 : i32
      %dma_wait3A_84 = tpu.memref_slice %arg10[%mul3A_2, %dma_wait3A_83] : memref<10112x128xf32, #tpu.memory_space<vmem_shared>> -> memref<632x128xf32, #tpu.memory_space<vmem_shared>>
      tpu.wait_dma2 semaphore(%run_scoped3A : memref<!tpu.dma_semaphore, #tpu.memory_space<semaphore_mem>>) src(%dma_wait3A_84 : memref<632x128xf32, #tpu.memory_space<vmem_shared>>) dst(%dma_wait3A_82 : memref<632x128xf32, #tpu.memory_space<hbm>>)
      tpu.yield
    }) : () -> ()
    return
  }
}

#map = affine_map<(d0, d1) -> (0, 0)>
#map1 = affine_map<(d0, d1) -> (0, 0, 0)>
module attributes {stable_mosaic.version = 14 : i64} {
  func.func @deg(%arg0: i32, %arg1: i32, %arg2: memref<128x128xf32, #tpu.memory_space<hbm>>, %arg3: memref<32x82x128xi32, #tpu.memory_space<hbm>>, %arg4: memref<632x128xf32, #tpu.memory_space<hbm>>, %arg5: memref<2x10112x128xf32, #tpu.memory_space<hbm>>, %arg6: memref<82x128xi32, #tpu.memory_space<vmem>>, %arg7: memref<128x128xf32, #tpu.memory_space<vmem>>, %arg8: memref<10112x128xf32, #tpu.memory_space<vmem_shared>>) attributes {dimension_semantics = [#tpu.dimension_semantics<core_parallel>, #tpu.dimension_semantics<subcore_parallel>], iteration_bounds = array<i64: 2, 16>, scalar_prefetch = 0 : i64, scratch_operands = 3 : i64, tpu.core_type = #tpu.core_type<sc_vector_subcore>, window_params = [{transform_indices = #map}, {transform_indices = #map1}, {transform_indices = #map}, {transform_indices = #map1}]} {
    %mul3A = arith.constant 16 : i32
    %mul3A_0 = arith.muli %arg0, %mul3A : i32
    %add3A = arith.addi %mul3A_0, %arg1 : i32
    "tpu.region"() ({
      %run_scoped3A = tpu.sem_alloc : memref<!tpu.dma_semaphore, #tpu.memory_space<semaphore_mem>>
      %dma_start3A = arith.constant 0 : i32
      %dma_start3A_9 = arith.constant 0 : i32
      %dma_start3A_10 = tpu.memref_slice %arg3[%add3A, %dma_start3A, %dma_start3A_9] : memref<32x82x128xi32, #tpu.memory_space<hbm>> -> memref<1x82x128xi32, #tpu.memory_space<hbm>>
      %dma_start3A_11 = tpu.memref_squeeze %dma_start3A_10 : memref<1x82x128xi32, #tpu.memory_space<hbm>> -> memref<82x128xi32, #tpu.memory_space<hbm>>
      %dma_start3A_12 = arith.constant 0 : i32
      %dma_start3A_13 = arith.constant 0 : i32
      %dma_start3A_14 = tpu.memref_slice %arg3[%add3A, %dma_start3A_12, %dma_start3A_13] : memref<32x82x128xi32, #tpu.memory_space<hbm>> -> memref<1x82x128xi32, #tpu.memory_space<hbm>>
      %dma_start3A_15 = tpu.memref_squeeze %dma_start3A_14 : memref<1x82x128xi32, #tpu.memory_space<hbm>> -> memref<82x128xi32, #tpu.memory_space<hbm>>
      tpu.enqueue_dma source(%dma_start3A_15 : memref<82x128xi32, #tpu.memory_space<hbm>>) target(%arg6 : memref<82x128xi32, #tpu.memory_space<vmem>>) target_semaphore(%run_scoped3A : memref<!tpu.dma_semaphore, #tpu.memory_space<semaphore_mem>>)
      %dma_wait3A = arith.constant 0 : i32
      %dma_wait3A_16 = arith.constant 0 : i32
      %dma_wait3A_17 = tpu.memref_slice %arg3[%add3A, %dma_wait3A, %dma_wait3A_16] : memref<32x82x128xi32, #tpu.memory_space<hbm>> -> memref<1x82x128xi32, #tpu.memory_space<hbm>>
      %dma_wait3A_18 = tpu.memref_squeeze %dma_wait3A_17 : memref<1x82x128xi32, #tpu.memory_space<hbm>> -> memref<82x128xi32, #tpu.memory_space<hbm>>
      %dma_wait3A_19 = arith.constant 0 : i32
      %dma_wait3A_20 = arith.constant 0 : i32
      %dma_wait3A_21 = tpu.memref_slice %arg3[%add3A, %dma_wait3A_19, %dma_wait3A_20] : memref<32x82x128xi32, #tpu.memory_space<hbm>> -> memref<1x82x128xi32, #tpu.memory_space<hbm>>
      %dma_wait3A_22 = tpu.memref_squeeze %dma_wait3A_21 : memref<1x82x128xi32, #tpu.memory_space<hbm>> -> memref<82x128xi32, #tpu.memory_space<hbm>>
      tpu.wait_dma2 semaphore(%run_scoped3A : memref<!tpu.dma_semaphore, #tpu.memory_space<semaphore_mem>>) src(%dma_wait3A_22 : memref<82x128xi32, #tpu.memory_space<hbm>>) dst(%arg6 : memref<82x128xi32, #tpu.memory_space<vmem>>)
      tpu.yield
    }) : () -> ()
    "tpu.region"() ({
      %run_scoped3A = tpu.sem_alloc : memref<!tpu.dma_semaphore, #tpu.memory_space<semaphore_mem>>
      tpu.enqueue_dma source(%arg2 : memref<128x128xf32, #tpu.memory_space<hbm>>) target(%arg7 : memref<128x128xf32, #tpu.memory_space<vmem>>) target_semaphore(%run_scoped3A : memref<!tpu.dma_semaphore, #tpu.memory_space<semaphore_mem>>)
      tpu.wait_dma2 semaphore(%run_scoped3A : memref<!tpu.dma_semaphore, #tpu.memory_space<semaphore_mem>>) src(%arg2 : memref<128x128xf32, #tpu.memory_space<hbm>>) dst(%arg7 : memref<128x128xf32, #tpu.memory_space<vmem>>)
      tpu.yield
    }) : () -> ()
    %mul3A_1 = arith.constant 632 : i32
    %mul3A_2 = arith.muli %arg1, %mul3A_1 : i32
    "tpu.region"() ({
      %run_scoped3A = tpu.sem_alloc : memref<!tpu.dma_semaphore, #tpu.memory_space<semaphore_mem>>
      %dma_start3A = arith.constant 0 : i32
      %dma_start3A_9 = tpu.memref_slice %arg8[%mul3A_2, %dma_start3A] : memref<10112x128xf32, #tpu.memory_space<vmem_shared>> -> memref<632x128xf32, #tpu.memory_space<vmem_shared>>
      tpu.enqueue_dma source(%arg4 : memref<632x128xf32, #tpu.memory_space<hbm>>) target(%dma_start3A_9 : memref<632x128xf32, #tpu.memory_space<vmem_shared>>) target_semaphore(%run_scoped3A : memref<!tpu.dma_semaphore, #tpu.memory_space<semaphore_mem>>)
      %dma_wait3A = arith.constant 0 : i32
      %dma_wait3A_10 = tpu.memref_slice %arg8[%mul3A_2, %dma_wait3A] : memref<10112x128xf32, #tpu.memory_space<vmem_shared>> -> memref<632x128xf32, #tpu.memory_space<vmem_shared>>
      tpu.wait_dma2 semaphore(%run_scoped3A : memref<!tpu.dma_semaphore, #tpu.memory_space<semaphore_mem>>) src(%arg4 : memref<632x128xf32, #tpu.memory_space<hbm>>) dst(%dma_wait3A_10 : memref<632x128xf32, #tpu.memory_space<vmem_shared>>)
      tpu.yield
    }) : () -> ()
    %barrier3A = arith.constant 0 : index
    tpu.barrier barrier_id(%barrier3A)
    %scan3A = arith.constant 0 : i32
    %scan3A_3 = arith.constant 0 : i32
    %scan3A_4 = arith.constant 82 : i32
    %scan3A_5 = arith.addi %scan3A_3, %scan3A_4 : i32
    %scan3A_6 = arith.constant 1 : i32
    scf.for %scan3A_9 = %scan3A_3 to %scan3A_5 step %scan3A_6  : i32 {
      "tpu.region"() ({
        %run_scoped3A = tpu.sem_alloc : memref<!tpu.dma_semaphore, #tpu.memory_space<semaphore_mem>>
        %dma_start3A = arith.constant 0 : i32
        %dma_start3A_10 = tpu.memref_slice %arg6[%scan3A_9, %dma_start3A] : memref<82x128xi32, #tpu.memory_space<vmem>> -> memref<1x128xi32, #tpu.memory_space<vmem>>
        %dma_start3A_11 = tpu.memref_squeeze %dma_start3A_10 : memref<1x128xi32, #tpu.memory_space<vmem>> -> memref<128xi32, #tpu.memory_space<vmem>>
        %dma_start3A_12 = arith.constant 0 : i32
        %dma_start3A_13 = arith.constant 0 : i32
        %dma_start3A_14 = tpu.memref_slice %arg8[%dma_start3A_12, %dma_start3A_13] : memref<10112x128xf32, #tpu.memory_space<vmem_shared>> -> memref<10112x128xf32, #tpu.memory_space<vmem_shared>>
        tpu.enqueue_indirect_dma source(%arg7 : memref<128x128xf32, #tpu.memory_space<vmem>>) target(%dma_start3A_14 : memref<10112x128xf32, #tpu.memory_space<vmem_shared>>) offsets(%dma_start3A_11 : memref<128xi32, #tpu.memory_space<vmem>>) semaphore(%run_scoped3A : memref<!tpu.dma_semaphore, #tpu.memory_space<semaphore_mem>>) {add = true}
        %dma_wait3A = arith.constant 0 : i32
        %dma_wait3A_15 = tpu.memref_slice %arg6[%scan3A_9, %dma_wait3A] : memref<82x128xi32, #tpu.memory_space<vmem>> -> memref<1x128xi32, #tpu.memory_space<vmem>>
        %dma_wait3A_16 = tpu.memref_squeeze %dma_wait3A_15 : memref<1x128xi32, #tpu.memory_space<vmem>> -> memref<128xi32, #tpu.memory_space<vmem>>
        %dma_wait3A_17 = arith.constant 0 : i32
        %dma_wait3A_18 = arith.constant 0 : i32
        %dma_wait3A_19 = tpu.memref_slice %arg8[%dma_wait3A_17, %dma_wait3A_18] : memref<10112x128xf32, #tpu.memory_space<vmem_shared>> -> memref<10112x128xf32, #tpu.memory_space<vmem_shared>>
        tpu.wait_indirect_dma semaphore(%run_scoped3A : memref<!tpu.dma_semaphore, #tpu.memory_space<semaphore_mem>>) src(%arg7 : memref<128x128xf32, #tpu.memory_space<vmem>>) dst(%dma_wait3A_19 : memref<10112x128xf32, #tpu.memory_space<vmem_shared>>)
        tpu.yield
      }) : () -> ()
    }
    %scan3A_7 = arith.constant 82 : i32
    %barrier3A_8 = arith.constant 0 : index
    tpu.barrier barrier_id(%barrier3A_8)
    "tpu.region"() ({
      %run_scoped3A = tpu.sem_alloc : memref<!tpu.dma_semaphore, #tpu.memory_space<semaphore_mem>>
      %dma_start3A = arith.constant 0 : i32
      %dma_start3A_9 = tpu.memref_slice %arg5[%arg0, %mul3A_2, %dma_start3A] : memref<2x10112x128xf32, #tpu.memory_space<hbm>> -> memref<1x632x128xf32, #tpu.memory_space<hbm>>
      %dma_start3A_10 = tpu.memref_squeeze %dma_start3A_9 : memref<1x632x128xf32, #tpu.memory_space<hbm>> -> memref<632x128xf32, #tpu.memory_space<hbm>>
      %dma_start3A_11 = arith.constant 0 : i32
      %dma_start3A_12 = tpu.memref_slice %arg8[%mul3A_2, %dma_start3A_11] : memref<10112x128xf32, #tpu.memory_space<vmem_shared>> -> memref<632x128xf32, #tpu.memory_space<vmem_shared>>
      tpu.enqueue_dma source(%dma_start3A_12 : memref<632x128xf32, #tpu.memory_space<vmem_shared>>) target(%dma_start3A_10 : memref<632x128xf32, #tpu.memory_space<hbm>>) target_semaphore(%run_scoped3A : memref<!tpu.dma_semaphore, #tpu.memory_space<semaphore_mem>>)
      %dma_wait3A = arith.constant 0 : i32
      %dma_wait3A_13 = tpu.memref_slice %arg5[%arg0, %mul3A_2, %dma_wait3A] : memref<2x10112x128xf32, #tpu.memory_space<hbm>> -> memref<1x632x128xf32, #tpu.memory_space<hbm>>
      %dma_wait3A_14 = tpu.memref_squeeze %dma_wait3A_13 : memref<1x632x128xf32, #tpu.memory_space<hbm>> -> memref<632x128xf32, #tpu.memory_space<hbm>>
      %dma_wait3A_15 = arith.constant 0 : i32
      %dma_wait3A_16 = tpu.memref_slice %arg8[%mul3A_2, %dma_wait3A_15] : memref<10112x128xf32, #tpu.memory_space<vmem_shared>> -> memref<632x128xf32, #tpu.memory_space<vmem_shared>>
      tpu.wait_dma2 semaphore(%run_scoped3A : memref<!tpu.dma_semaphore, #tpu.memory_space<semaphore_mem>>) src(%dma_wait3A_16 : memref<632x128xf32, #tpu.memory_space<vmem_shared>>) dst(%dma_wait3A_14 : memref<632x128xf32, #tpu.memory_space<hbm>>)
      tpu.yield
    }) : () -> ()
    return
  }
}

module attributes {stable_mosaic.version = 14 : i64} {
  func.func @body(%arg0: i32, %arg1: memref<632x128xf32, #tpu.memory_space<vmem>>, %arg2: memref<128x128xf32, #tpu.memory_space<vmem>>, %arg3: memref<632x128xf32, #tpu.memory_space<vmem>>, %arg4: memref<632x128xf32, #tpu.memory_space<vmem>>, %arg5: memref<632x128xf32, #tpu.memory_space<vmem>>) attributes {dimension_semantics = [#tpu.dimension_semantics<arbitrary>], iteration_bounds = array<i64: 16>, scalar_prefetch = 0 : i64, scratch_operands = 0 : i64, tpu.core_type = #tpu.core_type<tc>, window_params = [{transform_indices = @transform_0, window_bounds = array<i64: 632, 128>}, {pipeline_mode = #tpu.pipeline_mode<synchronous>, transform_indices = @transform_1, window_bounds = array<i64: 128, 128>}, {transform_indices = @transform_2, window_bounds = array<i64: 632, 128>}, {transform_indices = @transform_3, window_bounds = array<i64: 632, 128>}, {transform_indices = @transform_4, window_bounds = array<i64: 632, 128>}]} {
    %get3A = arith.constant 0 : index
    %get3A_0 = arith.constant 0 : index
    %get3A_1 = vector.load %arg3[%get3A, %get3A_0] : memref<632x128xf32, #tpu.memory_space<vmem>>, vector<632x128xf32>
    %get3A_2 = arith.constant 0 : index
    %get3A_3 = arith.constant 0 : index
    %get3A_4 = vector.load %arg4[%get3A_2, %get3A_3] : memref<632x128xf32, #tpu.memory_space<vmem>>, vector<632x128xf32>
    %slice3A = vector.extract_strided_slice %get3A_1 {offsets = [0, 0], sizes = [632, 1], strides = [1, 1]} : vector<632x128xf32> to vector<632x1xf32>
    %slice3A_5 = vector.extract_strided_slice %get3A_4 {offsets = [0, 0], sizes = [632, 1], strides = [1, 1]} : vector<632x128xf32> to vector<632x1xf32>
    %add3A = arith.addf %slice3A, %slice3A_5 : vector<632x1xf32>
    %add3A_6 = arith.constant 1.000000e+00 : f32
    %add3A_7 = vector.broadcast %add3A_6 : f32 to vector<632x1xf32>
    %add3A_8 = arith.addf %add3A, %add3A_7 : vector<632x1xf32>
    %rsqrt3A = math.rsqrt %add3A_8 : vector<632x1xf32>
    %get3A_9 = arith.constant 0 : index
    %get3A_10 = arith.constant 0 : index
    %get3A_11 = vector.load %arg1[%get3A_9, %get3A_10] : memref<632x128xf32, #tpu.memory_space<vmem>>, vector<632x128xf32>
    %get3A_12 = arith.constant 0 : index
    %get3A_13 = arith.constant 0 : index
    %get3A_14 = vector.load %arg2[%get3A_12, %get3A_13] : memref<128x128xf32, #tpu.memory_space<vmem>>, vector<128x128xf32>
    %dot_general3A = arith.constant dense<0.000000e+00> : vector<632x128xf32>
    %dot_general3A_15 = tpu.matmul %get3A_11, %get3A_14, %dot_general3A {dimension_numbers = #tpu.dot_dimension_numbers<[1], [1], [0], [0], [0, 0, 1, 0], [], []>, transpose_lhs_hint = false} : vector<632x128xf32>, vector<128x128xf32>, vector<632x128xf32> -> vector<632x128xf32>
    %mul3A = vector.broadcast %rsqrt3A : vector<632x1xf32> to vector<632x128xf32>
    %mul3A_16 = arith.mulf %dot_general3A_15, %mul3A : vector<632x128xf32>
    %swap3A = arith.constant 0 : index
    %swap3A_17 = arith.constant 0 : index
    %swap3A_18 = vector.load %arg5[%swap3A, %swap3A_17] : memref<632x128xf32, #tpu.memory_space<vmem>>, vector<632x128xf32>
    tpu.vector_store %arg5[%swap3A, %swap3A_17], %mul3A_16 {strides = array<i32>} : memref<632x128xf32, #tpu.memory_space<vmem>>, vector<632x128xf32>,
    return
  }
  func.func @transform_0(%arg0: i32) -> (i32, i32) {
    %c0_i32 = arith.constant 0 : i32
    %c0_i32_0 = arith.constant 0 : i32
    return %arg0, %c0_i32 : i32, i32
  }
  func.func @transform_1(%arg0: i32) -> (i32, i32) {
    %c0_i32 = arith.constant 0 : i32
    %c0_i32_0 = arith.constant 0 : i32
    %c0_i32_1 = arith.constant 0 : i32
    return %c0_i32, %c0_i32_0 : i32, i32
  }
  func.func @transform_2(%arg0: i32) -> (i32, i32) {
    %c0_i32 = arith.constant 0 : i32
    %c0_i32_0 = arith.constant 0 : i32
    return %arg0, %c0_i32 : i32, i32
  }
  func.func @transform_3(%arg0: i32) -> (i32, i32) {
    %c0_i32 = arith.constant 0 : i32
    %c0_i32_0 = arith.constant 0 : i32
    return %arg0, %c0_i32 : i32, i32
  }
  func.func @transform_4(%arg0: i32) -> (i32, i32) {
    %c0_i32 = arith.constant 0 : i32
    %c0_i32_0 = arith.constant 0 : i32
    return %arg0, %c0_i32 : i32, i32
  }
}

module attributes {stable_mosaic.version = 14 : i64} {
  func.func @body(%arg0: i32, %arg1: memref<632x128xf32, #tpu.memory_space<vmem>>, %arg2: memref<632x128xf32, #tpu.memory_space<vmem>>, %arg3: memref<632x128xf32, #tpu.memory_space<vmem>>, %arg4: memref<128x128xf32, #tpu.memory_space<vmem>>, %arg5: memref<1x128xf32, #tpu.memory_space<vmem>>, %arg6: memref<632x128xf32, #tpu.memory_space<vmem>>, %arg7: memref<632x128xf32, #tpu.memory_space<vmem>>, %arg8: memref<632x128xf32, #tpu.memory_space<vmem>>) attributes {dimension_semantics = [#tpu.dimension_semantics<arbitrary>], iteration_bounds = array<i64: 16>, scalar_prefetch = 0 : i64, scratch_operands = 0 : i64, tpu.core_type = #tpu.core_type<tc>, window_params = [{transform_indices = @transform_0, window_bounds = array<i64: 632, 128>}, {transform_indices = @transform_1, window_bounds = array<i64: 632, 128>}, {transform_indices = @transform_2, window_bounds = array<i64: 632, 128>}, {pipeline_mode = #tpu.pipeline_mode<synchronous>, transform_indices = @transform_3, window_bounds = array<i64: 128, 128>}, {pipeline_mode = #tpu.pipeline_mode<synchronous>, transform_indices = @transform_4, window_bounds = array<i64: 1, 128>}, {transform_indices = @transform_5, window_bounds = array<i64: 632, 128>}, {transform_indices = @transform_6, window_bounds = array<i64: 632, 128>}, {transform_indices = @transform_7, window_bounds = array<i64: 632, 128>}]} {
    %get3A = arith.constant 0 : index
    %get3A_0 = arith.constant 0 : index
    %get3A_1 = vector.load %arg6[%get3A, %get3A_0] : memref<632x128xf32, #tpu.memory_space<vmem>>, vector<632x128xf32>
    %get3A_2 = arith.constant 0 : index
    %get3A_3 = arith.constant 0 : index
    %get3A_4 = vector.load %arg7[%get3A_2, %get3A_3] : memref<632x128xf32, #tpu.memory_space<vmem>>, vector<632x128xf32>
    %slice3A = vector.extract_strided_slice %get3A_1 {offsets = [0, 0], sizes = [632, 1], strides = [1, 1]} : vector<632x128xf32> to vector<632x1xf32>
    %slice3A_5 = vector.extract_strided_slice %get3A_4 {offsets = [0, 0], sizes = [632, 1], strides = [1, 1]} : vector<632x128xf32> to vector<632x1xf32>
    %add3A = arith.addf %slice3A, %slice3A_5 : vector<632x1xf32>
    %add3A_6 = arith.constant 1.000000e+00 : f32
    %add3A_7 = vector.broadcast %add3A_6 : f32 to vector<632x1xf32>
    %add3A_8 = arith.addf %add3A, %add3A_7 : vector<632x1xf32>
    %rsqrt3A = math.rsqrt %add3A_8 : vector<632x1xf32>
    %get3A_9 = arith.constant 0 : index
    %get3A_10 = arith.constant 0 : index
    %get3A_11 = vector.load %arg1[%get3A_9, %get3A_10] : memref<632x128xf32, #tpu.memory_space<vmem>>, vector<632x128xf32>
    %get3A_12 = arith.constant 0 : index
    %get3A_13 = arith.constant 0 : index
    %get3A_14 = vector.load %arg2[%get3A_12, %get3A_13] : memref<632x128xf32, #tpu.memory_space<vmem>>, vector<632x128xf32>
    %add3A_15 = arith.addf %get3A_11, %get3A_14 : vector<632x128xf32>
    %get3A_16 = arith.constant 0 : index
    %get3A_17 = arith.constant 0 : index
    %get3A_18 = vector.load %arg3[%get3A_16, %get3A_17] : memref<632x128xf32, #tpu.memory_space<vmem>>, vector<632x128xf32>
    %add3A_19 = arith.addf %add3A_15, %get3A_18 : vector<632x128xf32>
    %mul3A = vector.broadcast %rsqrt3A : vector<632x1xf32> to vector<632x128xf32>
    %mul3A_20 = arith.mulf %add3A_19, %mul3A : vector<632x128xf32>
    %get3A_21 = arith.constant 0 : index
    %get3A_22 = arith.constant 0 : index
    %get3A_23 = vector.load %arg5[%get3A_21, %get3A_22] : memref<1x128xf32, #tpu.memory_space<vmem>>, vector<1x128xf32>
    %add3A_24 = vector.broadcast %get3A_23 : vector<1x128xf32> to vector<632x128xf32>
    %add3A_25 = arith.addf %mul3A_20, %add3A_24 : vector<632x128xf32>
    %max3A = arith.constant 0.000000e+00 : f32
    %max3A_26 = vector.broadcast %max3A : f32 to vector<632x128xf32>
    %max3A_27 = arith.maximumf %add3A_25, %max3A_26 : vector<632x128xf32>
    %get3A_28 = arith.constant 0 : index
    %get3A_29 = arith.constant 0 : index
    %get3A_30 = vector.load %arg4[%get3A_28, %get3A_29] : memref<128x128xf32, #tpu.memory_space<vmem>>, vector<128x128xf32>
    %dot_general3A = arith.constant dense<0.000000e+00> : vector<632x128xf32>
    %dot_general3A_31 = tpu.matmul %max3A_27, %get3A_30, %dot_general3A {dimension_numbers = #tpu.dot_dimension_numbers<[1], [1], [0], [0], [0, 0, 1, 0], [], []>, transpose_lhs_hint = false} : vector<632x128xf32>, vector<128x128xf32>, vector<632x128xf32> -> vector<632x128xf32>
    %mul3A_32 = vector.broadcast %rsqrt3A : vector<632x1xf32> to vector<632x128xf32>
    %mul3A_33 = arith.mulf %dot_general3A_31, %mul3A_32 : vector<632x128xf32>
    %swap3A = arith.constant 0 : index
    %swap3A_34 = arith.constant 0 : index
    %swap3A_35 = vector.load %arg8[%swap3A, %swap3A_34] : memref<632x128xf32, #tpu.memory_space<vmem>>, vector<632x128xf32>
    tpu.vector_store %arg8[%swap3A, %swap3A_34], %mul3A_33 {strides = array<i32>} : memref<632x128xf32, #tpu.memory_space<vmem>>, vector<632x128xf32>,
    return
  }
  func.func @transform_0(%arg0: i32) -> (i32, i32) {
    %c0_i32 = arith.constant 0 : i32
    %c0_i32_0 = arith.constant 0 : i32
    return %arg0, %c0_i32 : i32, i32
  }
  func.func @transform_1(%arg0: i32) -> (i32, i32) {
    %c0_i32 = arith.constant 0 : i32
    %c0_i32_0 = arith.constant 0 : i32
    return %arg0, %c0_i32 : i32, i32
  }
  func.func @transform_2(%arg0: i32) -> (i32, i32) {
    %c0_i32 = arith.constant 0 : i32
    %c0_i32_0 = arith.constant 0 : i32
    return %arg0, %c0_i32 : i32, i32
  }
  func.func @transform_3(%arg0: i32) -> (i32, i32) {
    %c0_i32 = arith.constant 0 : i32
    %c0_i32_0 = arith.constant 0 : i32
    %c0_i32_1 = arith.constant 0 : i32
    return %c0_i32, %c0_i32_0 : i32, i32
  }
  func.func @transform_4(%arg0: i32) -> (i32, i32) {
    %c0_i32 = arith.constant 0 : i32
    %c0_i32_0 = arith.constant 0 : i32
    %c0_i32_1 = arith.constant 0 : i32
    return %c0_i32, %c0_i32_0 : i32, i32
  }
  func.func @transform_5(%arg0: i32) -> (i32, i32) {
    %c0_i32 = arith.constant 0 : i32
    %c0_i32_0 = arith.constant 0 : i32
    return %arg0, %c0_i32 : i32, i32
  }
  func.func @transform_6(%arg0: i32) -> (i32, i32) {
    %c0_i32 = arith.constant 0 : i32
    %c0_i32_0 = arith.constant 0 : i32
    return %arg0, %c0_i32 : i32, i32
  }
  func.func @transform_7(%arg0: i32) -> (i32, i32) {
    %c0_i32 = arith.constant 0 : i32
    %c0_i32_0 = arith.constant 0 : i32
    return %arg0, %c0_i32 : i32, i32
  }
}

module attributes {stable_mosaic.version = 14 : i64} {
  func.func @body(%arg0: i32, %arg1: memref<632x128xf32, #tpu.memory_space<vmem>>, %arg2: memref<632x128xf32, #tpu.memory_space<vmem>>, %arg3: memref<632x128xf32, #tpu.memory_space<vmem>>, %arg4: memref<64x128xf32, #tpu.memory_space<vmem>>, %arg5: memref<1x128xf32, #tpu.memory_space<vmem>>, %arg6: memref<1x64xf32, #tpu.memory_space<vmem>>, %arg7: memref<632x128xf32, #tpu.memory_space<vmem>>, %arg8: memref<632x128xf32, #tpu.memory_space<vmem>>, %arg9: memref<632x64xf32, #tpu.memory_space<vmem>>) attributes {dimension_semantics = [#tpu.dimension_semantics<arbitrary>], iteration_bounds = array<i64: 16>, scalar_prefetch = 0 : i64, scratch_operands = 0 : i64, tpu.core_type = #tpu.core_type<tc>, window_params = [{transform_indices = @transform_0, window_bounds = array<i64: 632, 128>}, {transform_indices = @transform_1, window_bounds = array<i64: 632, 128>}, {transform_indices = @transform_2, window_bounds = array<i64: 632, 128>}, {pipeline_mode = #tpu.pipeline_mode<synchronous>, transform_indices = @transform_3, window_bounds = array<i64: 64, 128>}, {pipeline_mode = #tpu.pipeline_mode<synchronous>, transform_indices = @transform_4, window_bounds = array<i64: 1, 128>}, {pipeline_mode = #tpu.pipeline_mode<synchronous>, transform_indices = @transform_5, window_bounds = array<i64: 1, 64>}, {transform_indices = @transform_6, window_bounds = array<i64: 632, 128>}, {transform_indices = @transform_7, window_bounds = array<i64: 632, 128>}, {transform_indices = @transform_8, window_bounds = array<i64: 632, 64>}]} {
    %get3A = arith.constant 0 : index
    %get3A_0 = arith.constant 0 : index
    %get3A_1 = vector.load %arg7[%get3A, %get3A_0] : memref<632x128xf32, #tpu.memory_space<vmem>>, vector<632x128xf32>
    %get3A_2 = arith.constant 0 : index
    %get3A_3 = arith.constant 0 : index
    %get3A_4 = vector.load %arg8[%get3A_2, %get3A_3] : memref<632x128xf32, #tpu.memory_space<vmem>>, vector<632x128xf32>
    %slice3A = vector.extract_strided_slice %get3A_1 {offsets = [0, 0], sizes = [632, 1], strides = [1, 1]} : vector<632x128xf32> to vector<632x1xf32>
    %slice3A_5 = vector.extract_strided_slice %get3A_4 {offsets = [0, 0], sizes = [632, 1], strides = [1, 1]} : vector<632x128xf32> to vector<632x1xf32>
    %add3A = arith.addf %slice3A, %slice3A_5 : vector<632x1xf32>
    %add3A_6 = arith.constant 1.000000e+00 : f32
    %add3A_7 = vector.broadcast %add3A_6 : f32 to vector<632x1xf32>
    %add3A_8 = arith.addf %add3A, %add3A_7 : vector<632x1xf32>
    %rsqrt3A = math.rsqrt %add3A_8 : vector<632x1xf32>
    %get3A_9 = arith.constant 0 : index
    %get3A_10 = arith.constant 0 : index
    %get3A_11 = vector.load %arg1[%get3A_9, %get3A_10] : memref<632x128xf32, #tpu.memory_space<vmem>>, vector<632x128xf32>
    %get3A_12 = arith.constant 0 : index
    %get3A_13 = arith.constant 0 : index
    %get3A_14 = vector.load %arg2[%get3A_12, %get3A_13] : memref<632x128xf32, #tpu.memory_space<vmem>>, vector<632x128xf32>
    %add3A_15 = arith.addf %get3A_11, %get3A_14 : vector<632x128xf32>
    %get3A_16 = arith.constant 0 : index
    %get3A_17 = arith.constant 0 : index
    %get3A_18 = vector.load %arg3[%get3A_16, %get3A_17] : memref<632x128xf32, #tpu.memory_space<vmem>>, vector<632x128xf32>
    %add3A_19 = arith.addf %add3A_15, %get3A_18 : vector<632x128xf32>
    %mul3A = vector.broadcast %rsqrt3A : vector<632x1xf32> to vector<632x128xf32>
    %mul3A_20 = arith.mulf %add3A_19, %mul3A : vector<632x128xf32>
    %get3A_21 = arith.constant 0 : index
    %get3A_22 = arith.constant 0 : index
    %get3A_23 = vector.load %arg5[%get3A_21, %get3A_22] : memref<1x128xf32, #tpu.memory_space<vmem>>, vector<1x128xf32>
    %add3A_24 = vector.broadcast %get3A_23 : vector<1x128xf32> to vector<632x128xf32>
    %add3A_25 = arith.addf %mul3A_20, %add3A_24 : vector<632x128xf32>
    %get3A_26 = arith.constant 0 : index
    %get3A_27 = arith.constant 0 : index
    %get3A_28 = vector.load %arg4[%get3A_26, %get3A_27] : memref<64x128xf32, #tpu.memory_space<vmem>>, vector<64x128xf32>
    %dot_general3A = arith.constant dense<0.000000e+00> : vector<632x64xf32>
    %dot_general3A_29 = tpu.matmul %add3A_25, %get3A_28, %dot_general3A {dimension_numbers = #tpu.dot_dimension_numbers<[1], [1], [0], [0], [0, 0, 1, 0], [], []>, transpose_lhs_hint = false} : vector<632x128xf32>, vector<64x128xf32>, vector<632x64xf32> -> vector<632x64xf32>
    %get3A_30 = arith.constant 0 : index
    %get3A_31 = arith.constant 0 : index
    %get3A_32 = vector.load %arg6[%get3A_30, %get3A_31] : memref<1x64xf32, #tpu.memory_space<vmem>>, vector<1x64xf32>
    %add3A_33 = vector.broadcast %get3A_32 : vector<1x64xf32> to vector<632x64xf32>
    %add3A_34 = arith.addf %dot_general3A_29, %add3A_33 : vector<632x64xf32>
    %swap3A = arith.constant 0 : index
    %swap3A_35 = arith.constant 0 : index
    %swap3A_36 = vector.load %arg9[%swap3A, %swap3A_35] : memref<632x64xf32, #tpu.memory_space<vmem>>, vector<632x64xf32>
    tpu.vector_store %arg9[%swap3A, %swap3A_35], %add3A_34 {strides = array<i32>} : memref<632x64xf32, #tpu.memory_space<vmem>>, vector<632x64xf32>,
    return
  }
  func.func @transform_0(%arg0: i32) -> (i32, i32) {
    %c0_i32 = arith.constant 0 : i32
    %c0_i32_0 = arith.constant 0 : i32
    return %arg0, %c0_i32 : i32, i32
  }
  func.func @transform_1(%arg0: i32) -> (i32, i32) {
    %c0_i32 = arith.constant 0 : i32
    %c0_i32_0 = arith.constant 0 : i32
    return %arg0, %c0_i32 : i32, i32
  }
  func.func @transform_2(%arg0: i32) -> (i32, i32) {
    %c0_i32 = arith.constant 0 : i32
    %c0_i32_0 = arith.constant 0 : i32
    return %arg0, %c0_i32 : i32, i32
  }
  func.func @transform_3(%arg0: i32) -> (i32, i32) {
    %c0_i32 = arith.constant 0 : i32
    %c0_i32_0 = arith.constant 0 : i32
    %c0_i32_1 = arith.constant 0 : i32
    return %c0_i32, %c0_i32_0 : i32, i32
  }
  func.func @transform_4(%arg0: i32) -> (i32, i32) {
    %c0_i32 = arith.constant 0 : i32
    %c0_i32_0 = arith.constant 0 : i32
    %c0_i32_1 = arith.constant 0 : i32
    return %c0_i32, %c0_i32_0 : i32, i32
  }
  func.func @transform_5(%arg0: i32) -> (i32, i32) {
    %c0_i32 = arith.constant 0 : i32
    %c0_i32_0 = arith.constant 0 : i32
    %c0_i32_1 = arith.constant 0 : i32
    return %c0_i32, %c0_i32_0 : i32, i32
  }
  func.func @transform_6(%arg0: i32) -> (i32, i32) {
    %c0_i32 = arith.constant 0 : i32
    %c0_i32_0 = arith.constant 0 : i32
    return %arg0, %c0_i32 : i32, i32
  }
  func.func @transform_7(%arg0: i32) -> (i32, i32) {
    %c0_i32 = arith.constant 0 : i32
    %c0_i32_0 = arith.constant 0 : i32
    return %arg0, %c0_i32 : i32, i32
  }
  func.func @transform_8(%arg0: i32) -> (i32, i32) {
    %c0_i32 = arith.constant 0 : i32
    %c0_i32_0 = arith.constant 0 : i32
    return %arg0, %c0_i32 : i32, i32
  }
}

</mosaic_0001>

<sc_bundles>
// kernel: kernel.11.cloned.1.call-start
scs
__scs_entry_jumppad:
0x0: {  	(pc) =	sbr.rel $0x88, $3  }
0x1: {  	(tag) =	ssettag $0x0;
	lr =	simm.s32 $0x1  }
0x2: {  	[smem:$0x3F99] =	sst lr;
	_ =	strace $0xD0000000  }
0x3: {  	_ = 	snop  }
0x4: {  	_ = 	snop  }
0x5: {  	_ = 	snop  }
0x6: {  	_ = 	snop  }
0x7: {  	_ = 	snop  }
__scs_overlays_trampoline_lowered:
0x8: {  	[smem:$0x3FA8] =	sst s0  }
0x9: {  	[smem:$0x3FA9] =	sst s1  }
0xa: {  	[smem:$0x3FAA] =	sst s2  }
0xb: {  	[smem:$0x3FAB] =	sst s3  }
0xc: {  	[smem:$0x3FAC] =	sst s4  }
0xd: {  	[smem:$0x3FAD] =	sst s5  }
0xe: {  	[smem:$0x3FAE] =	sst s6  }
0xf: {  	[smem:$0x3FAF] =	sst s7  }
0x10: {  	[smem:$0x3FB0] =	sst s8  }
0x11: {  	[smem:$0x3FB1] =	sst s9;
	s0 =	simm.s32 @!p0 $0x0  }
0x12: {  	s1 =	sld [smem:$0x3F97];
	s0 =	simm.s32 @p0 $0x1  }
0x13: {  	[smem:$0x3FB2] =	sst s0;
	s0 =	simm.s32 @!p1 $0x0  }
0x14: {  	s2 =	sld [smem:$0x3F96];
	s0 =	simm.s32 @p1 $0x1  }
0x15: {  	[smem:$0x3FB3] =	sst s0;
	s0 =	simm.s32 @!p2 $0x0  }
0x16: {  	s3 =	sld [smem:$0x3FDB];
	s0 =	simm.s32 @p2 $0x1  }
0x17: {  	s4 =	simm.s32 $0x1BF5;
	[smem:$0x3FB5] =	sst s0  }
0x18: {  	s0 =	sld [smem:$0x3F98];
	_ =	swait.ge [sflag:s4], $0x0  }
0x19: {  	s7 =	sld [smem:$0x3F99]  }
0x1a: {  	s8 =	sadd.s32 $0xFFFFE003, lr  }
0x1b: {  	s9 =	sadd.s32 $0xFFFFFEF7, lr;
	s5 =	simm.s32 $0xFFFFFFFF;
	p2 =	slt.u32 s8, $0xFFFFF086  }
0x1c: {  	p1 =	slt.u32 s9, $0xF7A;
	s5 =	simm.s32 @!p2 $0x0  }
0x1d: {  	s5 =	simm.s32 @p1 $0x1;
	p0 =	seq.s32 s7, s2  }
0x1e: {  	s7 =	smul.u32 @!p0 $0xF7A, s2;
	p2 =	seq.s32 @!p0 s5, $0x0  }
0x1f: {  	s9 =	smul.u32 $0xF7A, s1;
	s8 =	simm.s32 @!p0 $0x1BF5;
	p2 =	por !p2, p0  }
0x20: {  	[sflag:s8] =	ssyncset.s32 @!p0 $0xFFFFF086;
	s6 =	sadd.s32 @!p0 s3, s7;
	s7 =	simm.s32 @!p0 $0x108  }
0x21: {  	s3 =	sadd.s32 s3, s9;
	s6 =	sadd.s32 @!p0 $0x88, s6;
	s7 =	simm.s32 @p2 $0x1082  }
0x22: {  	[simem:s7], [sflag:s8] =	dma.local @!p0 [hbm:s6], $0xF7A  }
0x23: {  	s9 =	sor.u32 $0xD0000000, s2;
	s6 =	simm.s32 $0x108;
	_ =	swait.ge @!p0 [sflag:s8], $0x0  }
0x24: {  	s3 =	sadd.s32 $0x88, s3;
	s6 =	simm.s32 @!p1 $0x1082;
	[sflag:s4] =	ssyncset.s32 $0xFFFFF086  }
0x25: {  	[simem:s6], [sflag:s4] =	dma.local [hbm:s3], $0xF7A  }
0x26: {  	[smem:$0x3F99] =	sst s1;
	(tag) =	ssettag s2;
	_ =	strace s9  }
0x27: {  	s1 =	sld [smem:$0x3FA9]  }
0x28: {  	s2 =	sld [smem:$0x3FAA]  }
0x29: {  	s4 =	sld [smem:$0x3FAC]  }
0x2a: {  	p0 =	seq.s32 s5, $0x0;
	s5 =	sld [smem:$0x3FAD]  }
0x2b: {  	s6 =	sld [smem:$0x3FAE]  }
0x2c: {  	s7 =	sld [smem:$0x3FAF]  }
0x2d: {  	s3 =	simm.s32 $0x108;
	s8 =	sld [smem:$0x3FB0]  }
0x2e: {  	s3 =	simm.s32 @!p0 $0x1082;
	s9 =	sld [smem:$0x3FB1]  }
0x2f: {  	lr =	sadd.s32 s0, s3;
	s0 =	sld [smem:$0x3FA8]  }
0x30: {  	s3 =	sld [smem:$0x3FAB]  }
0x31: {  	[smem:$0x3FB4] =	sst s10  }
0x32: {  	s10 =	sld [smem:$0x3FB2];
	_ =	sdelay $0x3  }
0x33: {  	p0 =	seq.s32 s10, $0x1;
	s10 =	sld [smem:$0x3FB4];
	_ =	sdelay $0x3  }
0x34: {  	[smem:$0x3FB4] =	sst s10  }
0x35: {  	s10 =	sld [smem:$0x3FB3];
	_ =	sdelay $0x3  }
0x36: {  	p1 =	seq.s32 s10, $0x1;
	s10 =	sld [smem:$0x3FB4];
	_ =	sdelay $0x3  }
0x37: {  	[smem:$0x3FB4] =	sst s10  }
0x38: {  	s10 =	sld [smem:$0x3FB5]  }
0x39: {  	_ = 	snop;
	(pc) =	sbr.ind lr, $3  }
0x3a: {  	_ = 	snop  }
0x3b: {  	_ = 	snop  }
0x3c: {  	p2 =	seq.s32 s10, $0x1;
	s10 =	sld [smem:$0x3FB4]  }
0x3d: {  	_ =	shalt  }
0x3e: {  	_ =	shalt  }
0x3f: {  	_ =	shalt  }
0x40: {  	_ =	shalt  }
0x41: {  	_ =	shalt  }
0x42: {  	_ =	shalt  }
0x43: {  	_ =	shalt  }
0x44: {  	_ =	shalt  }
0x45: {  	_ =	shalt  }
0x46: {  	_ =	shalt  }
0x47: {  	_ =	shalt  }
0x48: {  	_ =	shalt  }
0x49: {  	_ =	shalt  }
0x4a: {  	_ =	shalt  }
0x4b: {  	_ =	shalt  }
0x4c: {  	_ =	shalt  }
0x4d: {  	_ =	shalt  }
0x4e: {  	_ =	shalt  }
0x4f: {  	_ =	shalt  }
0x50: {  	_ =	shalt  }
0x51: {  	_ =	shalt  }
0x52: {  	_ =	shalt  }
0x53: {  	_ =	shalt  }
0x54: {  	_ =	shalt  }
0x55: {  	_ =	shalt  }
0x56: {  	_ =	shalt  }
0x57: {  	_ =	shalt  }
0x58: {  	_ =	shalt  }
0x59: {  	_ =	shalt  }
0x5a: {  	_ =	shalt  }
0x5b: {  	_ =	shalt  }
0x5c: {  	_ =	shalt  }
0x5d: {  	_ =	shalt  }
0x5e: {  	_ =	shalt  }
0x5f: {  	_ =	shalt  }
0x60: {  	_ =	shalt  }
0x61: {  	_ =	shalt  }
0x62: {  	_ =	shalt  }
0x63: {  	_ =	shalt  }
0x64: {  	_ =	shalt  }
0x65: {  	_ =	shalt  }
0x66: {  	_ =	shalt  }
0x67: {  	_ =	shalt  }
0x68: {  	_ =	shalt  }
0x69: {  	_ =	shalt  }
0x6a: {  	_ =	shalt  }
0x6b: {  	_ =	shalt  }
0x6c: {  	_ =	shalt  }
0x6d: {  	_ =	shalt  }
0x6e: {  	_ =	shalt  }
0x6f: {  	_ =	shalt  }
0x70: {  	_ =	shalt  }
0x71: {  	_ =	shalt  }
0x72: {  	_ =	shalt  }
0x73: {  	_ =	shalt  }
0x74: {  	_ =	shalt  }
0x75: {  	_ =	shalt  }
0x76: {  	_ =	shalt  }
0x77: {  	_ =	shalt  }
0x78: {  	_ =	shalt  }
0x79: {  	_ =	shalt  }
0x7a: {  	_ =	shalt  }
0x7b: {  	_ =	shalt  }
0x7c: {  	_ =	shalt  }
0x7d: {  	_ =	shalt  }
0x7e: {  	_ =	shalt  }
0x7f: {  	_ =	shalt  }
0x80: {  	_ =	shalt  }
0x81: {  	_ =	shalt  }
0x82: {  	_ =	shalt  }
0x83: {  	_ =	shalt  }
0x84: {  	_ =	shalt  }
0x85: {  	_ =	shalt  }
0x86: {  	_ =	shalt  }
0x87: {  	_ =	shalt  }
.Lfunc_end0:
.L_simem_size_0:
called_computation.1_lowered:
.L_overlay_start_0:
0x88: {  	s2 =	sld [smem:$0x3FD9]  }
0x89: {  	s3 =	sld [smem:$0x3FFE];
	_ =	sdelay $0x1  }
0x8a: {  	s1 =	srdreg.scid  }
0x8b: {  	s0 =	sand.u32 $0x1, s1  }
0x8c: {  	s16 =	sshll.u32 s0, $0xA;
	s2 =	sadd.s32 s3, s2  }
0x8d: {  	s2 =	sadd.s32 s2, s16  }
0x8e: {  	[smem:$0x3FC0] =	sst s2  }
0x8f: {  	_ = 	snop  }
0x90: {  	(tm) =	ssettm $0x1  }
0x91: {  	s17 =	sld [smem:$0x3FFB];
	_ =	sdelay $0x3  }
0x92: {  	_ =	strace s17  }
0x93: {  	s2 =	sld [smem:$0x3FFC];
	_ =	sdelay $0x3  }
0x94: {  	_ =	strace s2  }
0x95: {  	s2 =	sld [smem:$0x3FFD];
	_ =	sdelay $0x3  }
0x96: {  	_ =	strace s2  }
0x97: {  	_ =	strace $0x8FFFFFFF  }
0x98: {  	s18 =	sld [smem:$0x3FDB];
	_ =	sdelay $0x1  }
0x99: {  	s19 =	simm.s32 $_scs_section_size  }
0x9a: {  	s4 =	simm.s32 $_size__tile_overlayer_lowered;
	s5 =	simm.s32 $_tile_overlayer_lowered  }
0x9b: {  	s22 =	simm.s32 $0x1BFF;
	s21 =	sshll.u32 s5, $0x1;
	s2 =	sadd.s32 s19, s18  }
0x9c: {  	s6 =	simm.s32 $0x0;
	s20 =	sshll.u32 s4, $0x1;
	s4 =	sadd.s32 s21, s2  }
0x9d: {  	[timem:s6], [sflag:s22] =	dma.local [hbm:s4], s20  }
0x9e: {  	_ =	swait.ge [sflag:s22], s20  }
0x9f: {  	s3 =	ssub.s32 $0x0, s20;
	[sflag:s22] =	ssyncset.done $0x0  }
0xa0: {  	[sflag:s22] =	ssyncadd.s32 s3;
	_ =	sdelay $0x1  }
0xa1: {  	s23 =	simm.s32 $0x1B8B  }
0xa2: {  	_ =	swait.ge [sflag:s23], $0x1  }
0xa3: {  	[sflag:s23] =	ssyncset.done $0x0  }
0xa4: {  	s25 =	simm.s32 $0x1B8E;
	s24 =	sld [smem:$0x3FFE];
	[sflag:s23] =	ssyncadd.s32 $0xFFFFFFFF  }
0xa5: {  	s26 =	simm.s32 $execute0_lowered;
	[smem:$0x3FD2] =	sst s25  }
0xa6: {  	s4 =	sshll.u32 s26, $0x1;
	_ =	strace $0x80000049;
	[dreg:$0x1] =	wrdreg $0xFFFFFFFF  }
0xa7: {  	s28 =	simm.s32 $_size_execute0_lowered;
	s2 =	sadd.s32 s2, s4;
	[dreg:$0x0] =	wrdreg $0x0  }
0xa8: {  	s4 =	sshll.u32 s28, $0x1;
	[dreg:$0x2] =	wrdreg s2  }
0xa9: {  	[dreg:$0x3] =	wrdreg s4  }
0xaa: {  	[dreg:$0x4] =	wrdreg $0xC0  }
0xab: {  	_ =	task [dreg:s6], $0x5FFFF  }
0xac: {  	[dreg:$0x1] =	wrdreg $0xFFFFFFFF  }
0xad: {  	[dreg:$0x0] =	wrdreg $0x60  }
0xae: {  	[dreg:$0x2] =	wrdreg s24  }
0xaf: {  	[dreg:$0x3] =	wrdreg $0xC4000  }
0xb0: {  	[dreg:$0x4] =	wrdreg $0x9  }
0xb1: {  	_ =	task.clear_ibuf [dreg:s6], $0x5FFFF;
	_ =	strace $0x90000049  }
0xb2: {  	s29 =	simm.s32 $0x9;
	_ =	strace $0x8000004B  }
0xb3: {  	_ =	swait.ge [sflag:s29], $0x1  }
0xb4: {  	[sflag:s29] =	ssyncadd.s32 $0xFFFFFFFF  }
0xb5: {  	_ =	strace $0x9000004B  }
0xb6: {  	_ =	sfence  }
0xb7: {  	s30 =	sld [smem:$0x0];
	_ =	sdelay $0x2  }
0xb8: {  	s31 =	sshll.u32 s1, $0xD;
	s1 =	sshrl.u32 s1, $0x2  }
0xb9: {  	s3 =	sand.u32 $0x4000, s31;
	s1 =	sadd.s32 s1, s30  }
0xba: {  	s0 =	sor.u32 s3, s0;
	s1 =	sshll.u32 s1, $0x11  }
0xbb: {  	s0 =	sor.u32 s1, s0  }
0xbc: {  	s0 =	sadd.s32 $0x8F2B, s0  }
0xbd: {  	[sflag:s0] =	ssyncadd.remote.s32 $0x1  }
0xbe: {  	_ =	sfence.sel $0xFFFF  }
0xbf: {  	[dreg:$0x0] =	wrdreg $0xFFFFFFFF;
	(pc) =	sbr.abs _section_cstart, $3  }
0xc0: {  	[dreg:$0x1] =	wrdreg $0xFFFFFFFF  }
0xc1: {  	_ =	task.clear_ibuf [dreg:s6], $0x2FFFF;
	_ =	strace $0x9FFFFFFF  }
0xc2: {  	(tm) =	ssettm $0x7FFFFFFF  }
0xc3: {  	_ =	shalt  }
tec
execute0_lowered:
.L_overlay_start_1:
0x0: {  	(tag) =	ssettag $0x1  }
0x1: {  	s6 =	rddreg [dreg:$0x0]  }
0x2: {  	s1 =	rddreg [dreg:$0x1]  }
0x3: {  	s0 =	rddreg [dreg:$0x2]  }
0x4: {  	s3 =	simm.s32 $0x0;
	s2 =	srdreg.scid;
	s17 =	simm.s32 $0x5  }
0x5: {  	s18 =	simm.s32 $0x78;
	s19 =	simm.s32 $0x1000;
	s20 =	simm.s32 $0x4C00  }
0x6: {  	s21 =	simm.s32 $0x8800;
	s22 =	simm.s32 $0x1;
	s7 =	sand.u32 $0x1, s2  }
0x7: {  	s23 =	simm.s32 $0x2;
	s2 =	stileid.u32;
	s5 =	smul.u32 $0x13C000, s7  }
0x8: {  	s24 =	simm.s32 $0x3;
	[smem:$0x7FF] =	sst s3;
	s8 =	smul.u32 $0x13C00, s2  }
0x9: {  	s4 =	sadd.s32 $0x91200, s6;
	s12 =	sadd.s32 $0x55200, s6;
	s10 =	smul.u32 $0x4F000, s2  }
0xa: {  	s11 =	sadd.s32 $0x73200, s6;
	_ =	strace $0x8000004A;
	s26 =	smul.u32 $0x78000, s7  }
0xb: {  	s9 =	sshll.u32 s7, $0x4;
	s25 =	ssub.s32 $0x2, s7;
	s14 =	smul.u32 $0x7800, s2  }
0xc: {  	s30 =	sshll.u32 s2, $0x6;
	s9 =	sor.u32 s2, s9;
	s28 =	sshrl.u32 s25, $0x1  }
0xd: {  	s8 =	sadd.s32 s8, s5;
	s9 =	smul.u32 $0x7800, s9;
	s5 =	sadd.s32 $0x3A00, s6  }
0xe: {  	s15 =	ssub.s32 s25, s28;
	s29 =	sshrl.u32 s10, $0x2;
	s14 =	sadd.s32 s14, s26  }
0xf: {  	s25 =	simm.s32 $0x0;
	s8 =	sshrl.u32 s8, $0x3;
	s16 =	sadd.s32 s29, s1  }
0x10: {  	s14 =	sor.u32 $0x400, s14;
	s10 =	smax.u32 s15, $0x1;
	s15 =	simm.s32 $0x6  }
0x11: {  	s13 =	sadd.s32 s8, s6;
	s9 =	sshrl.u32 s9, $0x3;
	s8 =	sor.u32 $0x1C06, s30  }
0x12: {  	s31 =	sshrl.u32 s14, $0x3;
	s14 =	sshrl.u32 s16, $0x3;
	s16 =	simm.s32 $0x4  }
0x13: {  	s6 =	sadd.s32 s12, s9;
	s7 =	sadd.s32 s11, s9;
	s9 =	sadd.s32 $0xB8400, s13  }
0x14: {  	s11 =	sadd.s32 s31, s11;
	s12 =	sadd.s32 s31, s12;
	s13 =	simm.s32 $0x800  }
.LBB2_1:
0x15: {  	[tilespmem:s3], [sflag:$0x4] =	stream.linear.gather [hbm4b:s6+s3], $0x400, $0x38;
	v63 =	vld [tilespmem:$0x0]  }
0x16: {  	_ = 	snop  }
0x17: {  	[tilespmem:s13], [sflag:$0x5] =	stream.linear.gather [hbm4b:s7+s3], $0x400, $0x38;
	v63 =	vld [tilespmem:$0x0]  }
0x18: {  	[spmem:s14], [sflag:s8] =	dma.local [hbm:s5], $0x2780  }
0x19: {  	_ =	swait.ge [sflag:s15], $0x2780  }
0x1a: {  	[sflag:s15] =	ssyncset.done $0x0  }
0x1b: {  	[sflag:s15] =	ssyncadd.s32 $0xFFFFD880  }
0x1c: {  	[bflag:$0x0] =	sbarrier.arrive $0xFFFF  }
0x1d: {  	_ =	swait.ge [sflag:s16], $0x400  }
0x1e: {  	[sflag:s16] =	ssyncset.done $0x0  }
0x1f: {  	[sflag:s16] =	ssyncadd.s32 $0xFFFFFC00  }
0x20: {  	_ =	swait.ge [sflag:s17], $0x400  }
0x21: {  	s26 =	simm.s32 $0x400;
	[sflag:s17] =	ssyncset.done $0x0  }
0x22: {  	s26 =	sand.u32 $0x400, s26;
	[sflag:s17] =	ssyncadd.s32 $0xFFFFFC00  }
0x23: {  	[tilespmem:s26], [sflag:$0x4] =	stream.linear.gather [hbm4b:s12+s3], $0x400, $0x38;
	v63 =	vld [tilespmem:$0x0]  }
0x24: {  	s28 =	simm.s32 $0x0;
	s26 =	sor.u32 $0x800, s26  }
0x25: {  	[tilespmem:s26], [sflag:$0x5] =	stream.linear.gather [hbm4b:s11+s3], $0x400, $0x38;
	v63 =	vld [tilespmem:$0x0]  }
0x26: {  	s31 =	sand.u32 $0x400, s28  }
0x27: {  	[tilespmem:s19], [sflag:$0x1] =	stream.indirect.gather [hbm4b:s4+s18], $0x80, s31, s18, $0xb8;
	v63 =	vld [tilespmem:$0x0]  }
0x28: {  	s28 =	sor.u32 $0x80, s31  }
0x29: {  	[tilespmem:s20], [sflag:$0x2] =	stream.indirect.gather [hbm4b:s4+s18], $0x80, s28, s18, $0xb8;
	v63 =	vld [tilespmem:$0x0]  }
0x2a: {  	s28 =	sor.u32 $0x100, s31  }
0x2b: {  	[tilespmem:s21], [sflag:$0x3] =	stream.indirect.gather [hbm4b:s4+s18], $0x80, s28, s18, $0xb8;
	v63 =	vld [tilespmem:$0x0]  }
0x2c: {  	_ =	swait.ge [sflag:s22], $0x3C00  }
0x2d: {  	[sflag:s22] =	ssyncset.done $0x0  }
0x2e: {  	s28 =	sor.u32 $0x800, s31;
	[sflag:s22] =	ssyncadd.s32 $0xFFFFC400  }
0x2f: {  	[spmem:s1] =	stream.indirect.scatter.add.f32 [tilespmem:s19], [sflag:$0x6], $0x80, s28, s18, $0xb8;
	v63 =	vld [tilespmem:$0x0]  }
0x30: {  	_ =	swait.ge [sflag:s15], $0x3C00  }
0x31: {  	[sflag:s15] =	ssyncset.done $0x0  }
0x32: {  	[sflag:s15] =	ssyncadd.s32 $0xFFFFC400  }
0x33: {  	_ =	swait.ge [sflag:s23], $0x3C00  }
0x34: {  	[sflag:s23] =	ssyncset.done $0x0  }
0x35: {  	s28 =	sor.u32 $0x880, s31;
	[sflag:s23] =	ssyncadd.s32 $0xFFFFC400  }
0x36: {  	[spmem:s1] =	stream.indirect.scatter.add.f32 [tilespmem:s20], [sflag:$0x6], $0x80, s28, s18, $0xb8;
	v63 =	vld [tilespmem:$0x0]  }
0x37: {  	_ =	swait.ge [sflag:s15], $0x3C00  }
0x38: {  	[sflag:s15] =	ssyncset.done $0x0  }
0x39: {  	[sflag:s15] =	ssyncadd.s32 $0xFFFFC400  }
0x3a: {  	_ =	swait.ge [sflag:s24], $0x3C00  }
0x3b: {  	[sflag:s24] =	ssyncset.done $0x0  }
0x3c: {  	s26 =	sor.u32 $0x900, s31;
	[sflag:s24] =	ssyncadd.s32 $0xFFFFC400  }
0x3d: {  	[spmem:s1] =	stream.indirect.scatter.add.f32 [tilespmem:s21], [sflag:$0x6], $0x80, s26, s18, $0xb8;
	v63 =	vld [tilespmem:$0x0]  }
0x3e: {  	s29 =	smov.u32 s12;
	_ =	swait.ge [sflag:s15], $0x3C00  }
0x3f: {  	s28 =	smov.u32 s11;
	s26 =	simm.s32 $0x800;
	[sflag:s15] =	ssyncset.done $0x0  }
.LBB2_2:
0x40: {  	[sflag:s15] =	ssyncadd.s32 $0xFFFFC400  }
0x41: {  	s28 =	sadd.s32 $0x80, s28;
	s29 =	sadd.s32 $0x80, s29;
	s30 =	smov.u32 s26  }
0x42: {  	p0 =	sne.s32 s26, $0x7400;
	s26 =	sadd.s32 $0x400, s26;
	_ =	swait.ge [sflag:s16], $0x400  }
0x43: {  	[sflag:s16] =	ssyncset.done $0x0  }
0x44: {  	[sflag:s16] =	ssyncadd.s32 $0xFFFFFC00  }
0x45: {  	_ =	swait.ge [sflag:s17], $0x400  }
0x46: {  	[sflag:s17] =	ssyncset.done $0x0  }
0x47: {  	s31 =	sand.u32 $0x400, s30;
	[sflag:s17] =	ssyncadd.s32 $0xFFFFFC00  }
0x48: {  	[tilespmem:s31], [sflag:$0x4] =	stream.linear.gather [hbm4b:s29+s3], $0x400, $0x38;
	v63 =	vld [tilespmem:$0x0]  }
0x49: {  	s30 =	sadd.s32 $0xFFFFFC00, s30;
	s31 =	sor.u32 $0x800, s31  }
0x4a: {  	[tilespmem:s31], [sflag:$0x5] =	stream.linear.gather [hbm4b:s28+s3], $0x400, $0x38;
	v63 =	vld [tilespmem:$0x0]  }
0x4b: {  	s30 =	sand.u32 $0x400, s30  }
0x4c: {  	[tilespmem:s19], [sflag:$0x1] =	stream.indirect.gather [hbm4b:s4+s18], $0x80, s30, s18, $0xb8;
	v63 =	vld [tilespmem:$0x0]  }
0x4d: {  	s31 =	sor.u32 $0x80, s30  }
0x4e: {  	[tilespmem:s20], [sflag:$0x2] =	stream.indirect.gather [hbm4b:s4+s18], $0x80, s31, s18, $0xb8;
	v63 =	vld [tilespmem:$0x0]  }
0x4f: {  	s31 =	sor.u32 $0x100, s30  }
0x50: {  	[tilespmem:s21], [sflag:$0x3] =	stream.indirect.gather [hbm4b:s4+s18], $0x80, s31, s18, $0xb8;
	v63 =	vld [tilespmem:$0x0]  }
0x51: {  	_ =	swait.ge [sflag:s22], $0x3C00  }
0x52: {  	[sflag:s22] =	ssyncset.done $0x0  }
0x53: {  	s31 =	sor.u32 $0x800, s30;
	[sflag:s22] =	ssyncadd.s32 $0xFFFFC400  }
0x54: {  	[spmem:s1] =	stream.indirect.scatter.add.f32 [tilespmem:s19], [sflag:$0x6], $0x80, s31, s18, $0xb8;
	v63 =	vld [tilespmem:$0x0]  }
0x55: {  	_ =	swait.ge [sflag:s15], $0x3C00  }
0x56: {  	[sflag:s15] =	ssyncset.done $0x0  }
0x57: {  	[sflag:s15] =	ssyncadd.s32 $0xFFFFC400  }
0x58: {  	_ =	swait.ge [sflag:s23], $0x3C00  }
0x59: {  	[sflag:s23] =	ssyncset.done $0x0  }
0x5a: {  	s31 =	sor.u32 $0x880, s30;
	[sflag:s23] =	ssyncadd.s32 $0xFFFFC400  }
0x5b: {  	[spmem:s1] =	stream.indirect.scatter.add.f32 [tilespmem:s20], [sflag:$0x6], $0x80, s31, s18, $0xb8;
	v63 =	vld [tilespmem:$0x0]  }
0x5c: {  	_ =	swait.ge [sflag:s15], $0x3C00  }
0x5d: {  	[sflag:s15] =	ssyncset.done $0x0  }
0x5e: {  	[sflag:s15] =	ssyncadd.s32 $0xFFFFC400  }
0x5f: {  	_ =	swait.ge [sflag:s24], $0x3C00  }
.Ltmp0:
0x60: {  	[sflag:s24] =	ssyncset.done $0x0;
	(pc) =	sbr.rel @p0 .LBB2_2-.Ltmp0, $4  }
0x61: {  	s30 =	sor.u32 $0x900, s30;
	[sflag:s24] =	ssyncadd.s32 $0xFFFFC400  }
0x62: {  	[spmem:s1] =	stream.indirect.scatter.add.f32 [tilespmem:s21], [sflag:$0x6], $0x80, s30, s18, $0xb8;
	v63 =	vld [tilespmem:$0x0]  }
0x63: {  	_ =	swait.ge [sflag:s15], $0x3C00  }
0x64: {  	[sflag:s15] =	ssyncset.done $0x0  }
0x65: {  	[sflag:s15] =	ssyncadd.s32 $0xFFFFC400  }
0x66: {  	_ =	swait.ge [sflag:s16], $0x400  }
0x67: {  	[sflag:s16] =	ssyncset.done $0x0  }
0x68: {  	[sflag:s16] =	ssyncadd.s32 $0xFFFFFC00  }
0x69: {  	_ =	swait.ge [sflag:s17], $0x400  }
0x6a: {  	s25 =	sadd.s32 $0x1, s25;
	[sflag:s17] =	ssyncset.done $0x0  }
0x6b: {  	p0 =	sne.s32 s25, s10;
	[sflag:s17] =	ssyncadd.s32 $0xFFFFFC00  }
.Ltmp1:
0x6c: {  	[bflag:$0x0] =	sbarrier.arrive $0xFFFF;
	(pc) =	sbr.rel @p0 .LBB2_1-.Ltmp1, $4  }
0x6d: {  	[hbm:s9], [sflag:s8] =	dma.local [spmem:s14], $0x2780  }
0x6e: {  	_ =	swait.ge [sflag:s15], $0x2780  }
0x6f: {  	[sflag:s15] =	ssyncset.done $0x0  }
0x70: {  	[sflag:s15] =	ssyncadd.s32 $0xFFFFD880  }
0x71: {  	_ =	sfence.sel $0x180000  }
0x72: {  	[bflag:$0x0] =	sbarrier.arrive $0xFFFF  }
0x73: {  	p0 =	sne.s32 s2, $0x0;
	_ =	strace $0x9000004A  }
0x74: {  	s0 =	sadd.s32 @!p0 $0x100000, s0;
	[bflag:$0x2] =	sbarrier.arrive $0xFFFF  }
0x75: {  	[sflag:s0] =	ssyncadd.tile.s32 @!p0 $0x1;
	_ =	shalt  }
.Lfunc_end2:
_tile_overlayer_lowered:
.L_overlay_start_2:
0x76: {  	(tag) =	ssettag $0x2  }
0x77: {  	s0 =	rddreg [dreg:$0x0];
	s2 =	stileid.u32  }
0x78: {  	s1 =	rddreg [dreg:$0x1];
	p0 =	sne.s32 s2, $0x0  }
0x79: {  	s3 =	rddreg [dreg:$0x2];
	[bflag:$0x3] =	sbarrier.arrive $0xFFFF;
	s2 =	simm.s32 @!p0 $0x1C06  }
0x7a: {  	[timem:s3], [sflag:s2] =	dma.local @!p0 [hbm:s0], s1  }
0x7b: {  	s0 =	simm.s32 @!p0 $0x6  }
0x7c: {  	_ =	swait.ge @!p0 [sflag:s0], s1  }
0x7d: {  	s1 =	ssub.s32 @!p0 $0x0, s1;
	[sflag:s0] =	ssyncset.done @!p0 $0x0  }
0x7e: {  	[sflag:s0] =	ssyncadd.s32 @!p0 s1  }
0x7f: {  	[bflag:$0x3] =	sbarrier.arrive $0xFFFF  }
0x80: {  	_ =	shalt  }

// kernel: kernel.14.cloned.1.call-start
scs
__scs_entry_jumppad:
0x0: {  	(pc) =	sbr.rel $0x88, $3  }
0x1: {  	(tag) =	ssettag $0x0;
	lr =	simm.s32 $0x1  }
0x2: {  	[smem:$0x3F99] =	sst lr;
	_ =	strace $0xD0000000  }
0x3: {  	_ = 	snop  }
0x4: {  	_ = 	snop  }
0x5: {  	_ = 	snop  }
0x6: {  	_ = 	snop  }
0x7: {  	_ = 	snop  }
__scs_overlays_trampoline_lowered:
0x8: {  	[smem:$0x3FA8] =	sst s0  }
0x9: {  	[smem:$0x3FA9] =	sst s1  }
0xa: {  	[smem:$0x3FAA] =	sst s2  }
0xb: {  	[smem:$0x3FAB] =	sst s3  }
0xc: {  	[smem:$0x3FAC] =	sst s4  }
0xd: {  	[smem:$0x3FAD] =	sst s5  }
0xe: {  	[smem:$0x3FAE] =	sst s6  }
0xf: {  	[smem:$0x3FAF] =	sst s7  }
0x10: {  	[smem:$0x3FB0] =	sst s8  }
0x11: {  	[smem:$0x3FB1] =	sst s9;
	s0 =	simm.s32 @!p0 $0x0  }
0x12: {  	s1 =	sld [smem:$0x3F97];
	s0 =	simm.s32 @p0 $0x1  }
0x13: {  	[smem:$0x3FB2] =	sst s0;
	s0 =	simm.s32 @!p1 $0x0  }
0x14: {  	s2 =	sld [smem:$0x3F96];
	s0 =	simm.s32 @p1 $0x1  }
0x15: {  	[smem:$0x3FB3] =	sst s0;
	s0 =	simm.s32 @!p2 $0x0  }
0x16: {  	s3 =	sld [smem:$0x3FDB];
	s0 =	simm.s32 @p2 $0x1  }
0x17: {  	s4 =	simm.s32 $0x1BF5;
	[smem:$0x3FB5] =	sst s0  }
0x18: {  	s0 =	sld [smem:$0x3F98];
	_ =	swait.ge [sflag:s4], $0x0  }
0x19: {  	s7 =	sld [smem:$0x3F99]  }
0x1a: {  	s8 =	sadd.s32 $0xFFFFE003, lr  }
0x1b: {  	s9 =	sadd.s32 $0xFFFFFEF7, lr;
	s5 =	simm.s32 $0xFFFFFFFF;
	p2 =	slt.u32 s8, $0xFFFFF086  }
0x1c: {  	p1 =	slt.u32 s9, $0xF7A;
	s5 =	simm.s32 @!p2 $0x0  }
0x1d: {  	s5 =	simm.s32 @p1 $0x1;
	p0 =	seq.s32 s7, s2  }
0x1e: {  	s7 =	smul.u32 @!p0 $0xF7A, s2;
	p2 =	seq.s32 @!p0 s5, $0x0  }
0x1f: {  	s9 =	smul.u32 $0xF7A, s1;
	s8 =	simm.s32 @!p0 $0x1BF5;
	p2 =	por !p2, p0  }
0x20: {  	[sflag:s8] =	ssyncset.s32 @!p0 $0xFFFFF086;
	s6 =	sadd.s32 @!p0 s3, s7;
	s7 =	simm.s32 @!p0 $0x108  }
0x21: {  	s3 =	sadd.s32 s3, s9;
	s6 =	sadd.s32 @!p0 $0x88, s6;
	s7 =	simm.s32 @p2 $0x1082  }
0x22: {  	[simem:s7], [sflag:s8] =	dma.local @!p0 [hbm:s6], $0xF7A  }
0x23: {  	s9 =	sor.u32 $0xD0000000, s2;
	s6 =	simm.s32 $0x108;
	_ =	swait.ge @!p0 [sflag:s8], $0x0  }
0x24: {  	s3 =	sadd.s32 $0x88, s3;
	s6 =	simm.s32 @!p1 $0x1082;
	[sflag:s4] =	ssyncset.s32 $0xFFFFF086  }
0x25: {  	[simem:s6], [sflag:s4] =	dma.local [hbm:s3], $0xF7A  }
0x26: {  	[smem:$0x3F99] =	sst s1;
	(tag) =	ssettag s2;
	_ =	strace s9  }
0x27: {  	s1 =	sld [smem:$0x3FA9]  }
0x28: {  	s2 =	sld [smem:$0x3FAA]  }
0x29: {  	s4 =	sld [smem:$0x3FAC]  }
0x2a: {  	p0 =	seq.s32 s5, $0x0;
	s5 =	sld [smem:$0x3FAD]  }
0x2b: {  	s6 =	sld [smem:$0x3FAE]  }
0x2c: {  	s7 =	sld [smem:$0x3FAF]  }
0x2d: {  	s3 =	simm.s32 $0x108;
	s8 =	sld [smem:$0x3FB0]  }
0x2e: {  	s3 =	simm.s32 @!p0 $0x1082;
	s9 =	sld [smem:$0x3FB1]  }
0x2f: {  	lr =	sadd.s32 s0, s3;
	s0 =	sld [smem:$0x3FA8]  }
0x30: {  	s3 =	sld [smem:$0x3FAB]  }
0x31: {  	[smem:$0x3FB4] =	sst s10  }
0x32: {  	s10 =	sld [smem:$0x3FB2];
	_ =	sdelay $0x3  }
0x33: {  	p0 =	seq.s32 s10, $0x1;
	s10 =	sld [smem:$0x3FB4];
	_ =	sdelay $0x3  }
0x34: {  	[smem:$0x3FB4] =	sst s10  }
0x35: {  	s10 =	sld [smem:$0x3FB3];
	_ =	sdelay $0x3  }
0x36: {  	p1 =	seq.s32 s10, $0x1;
	s10 =	sld [smem:$0x3FB4];
	_ =	sdelay $0x3  }
0x37: {  	[smem:$0x3FB4] =	sst s10  }
0x38: {  	s10 =	sld [smem:$0x3FB5]  }
0x39: {  	_ = 	snop;
	(pc) =	sbr.ind lr, $3  }
0x3a: {  	_ = 	snop  }
0x3b: {  	_ = 	snop  }
0x3c: {  	p2 =	seq.s32 s10, $0x1;
	s10 =	sld [smem:$0x3FB4]  }
0x3d: {  	_ =	shalt  }
0x3e: {  	_ =	shalt  }
0x3f: {  	_ =	shalt  }
0x40: {  	_ =	shalt  }
0x41: {  	_ =	shalt  }
0x42: {  	_ =	shalt  }
0x43: {  	_ =	shalt  }
0x44: {  	_ =	shalt  }
0x45: {  	_ =	shalt  }
0x46: {  	_ =	shalt  }
0x47: {  	_ =	shalt  }
0x48: {  	_ =	shalt  }
0x49: {  	_ =	shalt  }
0x4a: {  	_ =	shalt  }
0x4b: {  	_ =	shalt  }
0x4c: {  	_ =	shalt  }
0x4d: {  	_ =	shalt  }
0x4e: {  	_ =	shalt  }
0x4f: {  	_ =	shalt  }
0x50: {  	_ =	shalt  }
0x51: {  	_ =	shalt  }
0x52: {  	_ =	shalt  }
0x53: {  	_ =	shalt  }
0x54: {  	_ =	shalt  }
0x55: {  	_ =	shalt  }
0x56: {  	_ =	shalt  }
0x57: {  	_ =	shalt  }
0x58: {  	_ =	shalt  }
0x59: {  	_ =	shalt  }
0x5a: {  	_ =	shalt  }
0x5b: {  	_ =	shalt  }
0x5c: {  	_ =	shalt  }
0x5d: {  	_ =	shalt  }
0x5e: {  	_ =	shalt  }
0x5f: {  	_ =	shalt  }
0x60: {  	_ =	shalt  }
0x61: {  	_ =	shalt  }
0x62: {  	_ =	shalt  }
0x63: {  	_ =	shalt  }
0x64: {  	_ =	shalt  }
0x65: {  	_ =	shalt  }
0x66: {  	_ =	shalt  }
0x67: {  	_ =	shalt  }
0x68: {  	_ =	shalt  }
0x69: {  	_ =	shalt  }
0x6a: {  	_ =	shalt  }
0x6b: {  	_ =	shalt  }
0x6c: {  	_ =	shalt  }
0x6d: {  	_ =	shalt  }
0x6e: {  	_ =	shalt  }
0x6f: {  	_ =	shalt  }
0x70: {  	_ =	shalt  }
0x71: {  	_ =	shalt  }
0x72: {  	_ =	shalt  }
0x73: {  	_ =	shalt  }
0x74: {  	_ =	shalt  }
0x75: {  	_ =	shalt  }
0x76: {  	_ =	shalt  }
0x77: {  	_ =	shalt  }
0x78: {  	_ =	shalt  }
0x79: {  	_ =	shalt  }
0x7a: {  	_ =	shalt  }
0x7b: {  	_ =	shalt  }
0x7c: {  	_ =	shalt  }
0x7d: {  	_ =	shalt  }
0x7e: {  	_ =	shalt  }
0x7f: {  	_ =	shalt  }
0x80: {  	_ =	shalt  }
0x81: {  	_ =	shalt  }
0x82: {  	_ =	shalt  }
0x83: {  	_ =	shalt  }
0x84: {  	_ =	shalt  }
0x85: {  	_ =	shalt  }
0x86: {  	_ =	shalt  }
0x87: {  	_ =	shalt  }
.Lfunc_end0:
.L_simem_size_0:
called_computation.2_lowered:
.L_overlay_start_0:
0x88: {  	s2 =	sld [smem:$0x3FD9]  }
0x89: {  	s3 =	sld [smem:$0x3FFE];
	_ =	sdelay $0x1  }
0x8a: {  	s1 =	srdreg.scid  }
0x8b: {  	s0 =	sand.u32 $0x1, s1  }
0x8c: {  	s16 =	sshll.u32 s0, $0xA;
	s2 =	sadd.s32 s3, s2  }
0x8d: {  	s2 =	sadd.s32 s2, s16  }
0x8e: {  	[smem:$0x3FC0] =	sst s2  }
0x8f: {  	_ = 	snop  }
0x90: {  	(tm) =	ssettm $0x1  }
0x91: {  	s17 =	sld [smem:$0x3FFB];
	_ =	sdelay $0x3  }
0x92: {  	_ =	strace s17  }
0x93: {  	s2 =	sld [smem:$0x3FFC];
	_ =	sdelay $0x3  }
0x94: {  	_ =	strace s2  }
0x95: {  	s2 =	sld [smem:$0x3FFD];
	_ =	sdelay $0x3  }
0x96: {  	_ =	strace s2  }
0x97: {  	_ =	strace $0x8FFFFFFF  }
0x98: {  	s18 =	sld [smem:$0x3FDB];
	_ =	sdelay $0x1  }
0x99: {  	s19 =	simm.s32 $_scs_section_size  }
0x9a: {  	s4 =	simm.s32 $_size__tile_overlayer_lowered;
	s5 =	simm.s32 $_tile_overlayer_lowered  }
0x9b: {  	s22 =	simm.s32 $0x1BFF;
	s21 =	sshll.u32 s5, $0x1;
	s2 =	sadd.s32 s19, s18  }
0x9c: {  	s6 =	simm.s32 $0x0;
	s20 =	sshll.u32 s4, $0x1;
	s4 =	sadd.s32 s21, s2  }
0x9d: {  	[timem:s6], [sflag:s22] =	dma.local [hbm:s4], s20  }
0x9e: {  	_ =	swait.ge [sflag:s22], s20  }
0x9f: {  	s3 =	ssub.s32 $0x0, s20;
	[sflag:s22] =	ssyncset.done $0x0  }
0xa0: {  	[sflag:s22] =	ssyncadd.s32 s3;
	_ =	sdelay $0x1  }
0xa1: {  	s23 =	simm.s32 $0x1B8B  }
0xa2: {  	_ =	swait.ge [sflag:s23], $0x1  }
0xa3: {  	[sflag:s23] =	ssyncset.done $0x0  }
0xa4: {  	s25 =	simm.s32 $0x1B8E;
	s24 =	sld [smem:$0x3FFE];
	[sflag:s23] =	ssyncadd.s32 $0xFFFFFFFF  }
0xa5: {  	s26 =	simm.s32 $execute0_lowered;
	[smem:$0x3FD2] =	sst s25  }
0xa6: {  	s4 =	sshll.u32 s26, $0x1;
	_ =	strace $0x8000004C;
	[dreg:$0x1] =	wrdreg $0xFFFFFFFF  }
0xa7: {  	s28 =	simm.s32 $_size_execute0_lowered;
	s2 =	sadd.s32 s2, s4;
	[dreg:$0x0] =	wrdreg $0x0  }
0xa8: {  	s4 =	sshll.u32 s28, $0x1;
	[dreg:$0x2] =	wrdreg s2  }
0xa9: {  	[dreg:$0x3] =	wrdreg s4  }
0xaa: {  	[dreg:$0x4] =	wrdreg $0xC0  }
0xab: {  	_ =	task [dreg:s6], $0x5FFFF  }
0xac: {  	[dreg:$0x1] =	wrdreg $0xFFFFFFFF  }
0xad: {  	[dreg:$0x0] =	wrdreg $0x60  }
0xae: {  	[dreg:$0x2] =	wrdreg s24  }
0xaf: {  	[dreg:$0x3] =	wrdreg $0xC4000  }
0xb0: {  	[dreg:$0x4] =	wrdreg $0x9  }
0xb1: {  	_ =	task.clear_ibuf [dreg:s6], $0x5FFFF;
	_ =	strace $0x9000004C  }
0xb2: {  	s29 =	simm.s32 $0x9;
	_ =	strace $0x8000004E  }
0xb3: {  	_ =	swait.ge [sflag:s29], $0x1  }
0xb4: {  	[sflag:s29] =	ssyncadd.s32 $0xFFFFFFFF  }
0xb5: {  	_ =	strace $0x9000004E  }
0xb6: {  	_ =	sfence  }
0xb7: {  	s30 =	sld [smem:$0x0];
	_ =	sdelay $0x2  }
0xb8: {  	s31 =	sshll.u32 s1, $0xD;
	s1 =	sshrl.u32 s1, $0x2  }
0xb9: {  	s3 =	sand.u32 $0x4000, s31;
	s1 =	sadd.s32 s1, s30  }
0xba: {  	s0 =	sor.u32 s3, s0;
	s1 =	sshll.u32 s1, $0x11  }
0xbb: {  	s0 =	sor.u32 s1, s0  }
0xbc: {  	s0 =	sadd.s32 $0x8F2B, s0  }
0xbd: {  	[sflag:s0] =	ssyncadd.remote.s32 $0x1  }
0xbe: {  	_ =	sfence.sel $0xFFFF  }
0xbf: {  	[dreg:$0x0] =	wrdreg $0xFFFFFFFF;
	(pc) =	sbr.abs _section_cstart, $3  }
0xc0: {  	[dreg:$0x1] =	wrdreg $0xFFFFFFFF  }
0xc1: {  	_ =	task.clear_ibuf [dreg:s6], $0x2FFFF;
	_ =	strace $0x9FFFFFFF  }
0xc2: {  	(tm) =	ssettm $0x7FFFFFFF  }
0xc3: {  	_ =	shalt  }
tec
execute0_lowered:
.L_overlay_start_1:
0x0: {  	(tag) =	ssettag $0x1  }
0x1: {  	s6 =	rddreg [dreg:$0x0]  }
0x2: {  	s1 =	rddreg [dreg:$0x1]  }
0x3: {  	s0 =	rddreg [dreg:$0x2]  }
0x4: {  	s3 =	simm.s32 $0x0;
	s2 =	srdreg.scid;
	s17 =	simm.s32 $0x5  }
0x5: {  	s18 =	simm.s32 $0x78;
	s19 =	simm.s32 $0x1000;
	s20 =	simm.s32 $0x4C00  }
0x6: {  	s21 =	simm.s32 $0x8800;
	s22 =	simm.s32 $0x1;
	s7 =	sand.u32 $0x1, s2  }
0x7: {  	s23 =	simm.s32 $0x2;
	s2 =	stileid.u32;
	s5 =	smul.u32 $0x13C000, s7  }
0x8: {  	s24 =	simm.s32 $0x3;
	[smem:$0x7FF] =	sst s3;
	s8 =	smul.u32 $0x13C00, s2  }
0x9: {  	s4 =	sadd.s32 $0x91200, s6;
	s12 =	sadd.s32 $0x55200, s6;
	s10 =	smul.u32 $0x4F000, s2  }
0xa: {  	s11 =	sadd.s32 $0x73200, s6;
	_ =	strace $0x8000004D;
	s26 =	smul.u32 $0x78000, s7  }
0xb: {  	s9 =	sshll.u32 s7, $0x4;
	s25 =	ssub.s32 $0x2, s7;
	s14 =	smul.u32 $0x7800, s2  }
0xc: {  	s30 =	sshll.u32 s2, $0x6;
	s9 =	sor.u32 s2, s9;
	s28 =	sshrl.u32 s25, $0x1  }
0xd: {  	s8 =	sadd.s32 s8, s5;
	s9 =	smul.u32 $0x7800, s9;
	s5 =	sadd.s32 $0x3A00, s6  }
0xe: {  	s15 =	ssub.s32 s25, s28;
	s29 =	sshrl.u32 s10, $0x2;
	s14 =	sadd.s32 s14, s26  }
0xf: {  	s25 =	simm.s32 $0x0;
	s8 =	sshrl.u32 s8, $0x3;
	s16 =	sadd.s32 s29, s1  }
0x10: {  	s14 =	sor.u32 $0x400, s14;
	s10 =	smax.u32 s15, $0x1;
	s15 =	simm.s32 $0x6  }
0x11: {  	s13 =	sadd.s32 s8, s6;
	s9 =	sshrl.u32 s9, $0x3;
	s8 =	sor.u32 $0x1C06, s30  }
0x12: {  	s31 =	sshrl.u32 s14, $0x3;
	s14 =	sshrl.u32 s16, $0x3;
	s16 =	simm.s32 $0x4  }
0x13: {  	s6 =	sadd.s32 s12, s9;
	s7 =	sadd.s32 s11, s9;
	s9 =	sadd.s32 $0xB8400, s13  }
0x14: {  	s11 =	sadd.s32 s31, s11;
	s12 =	sadd.s32 s31, s12;
	s13 =	simm.s32 $0x800  }
.LBB2_1:
0x15: {  	[tilespmem:s3], [sflag:$0x4] =	stream.linear.gather [hbm4b:s6+s3], $0x400, $0x38;
	v63 =	vld [tilespmem:$0x0]  }
0x16: {  	_ = 	snop  }
0x17: {  	[tilespmem:s13], [sflag:$0x5] =	stream.linear.gather [hbm4b:s7+s3], $0x400, $0x38;
	v63 =	vld [tilespmem:$0x0]  }
0x18: {  	[spmem:s14], [sflag:s8] =	dma.local [hbm:s5], $0x2780  }
0x19: {  	_ =	swait.ge [sflag:s15], $0x2780  }
0x1a: {  	[sflag:s15] =	ssyncset.done $0x0  }
0x1b: {  	[sflag:s15] =	ssyncadd.s32 $0xFFFFD880  }
0x1c: {  	[bflag:$0x0] =	sbarrier.arrive $0xFFFF  }
0x1d: {  	_ =	swait.ge [sflag:s16], $0x400  }
0x1e: {  	[sflag:s16] =	ssyncset.done $0x0  }
0x1f: {  	[sflag:s16] =	ssyncadd.s32 $0xFFFFFC00  }
0x20: {  	_ =	swait.ge [sflag:s17], $0x400  }
0x21: {  	s26 =	simm.s32 $0x400;
	[sflag:s17] =	ssyncset.done $0x0  }
0x22: {  	s26 =	sand.u32 $0x400, s26;
	[sflag:s17] =	ssyncadd.s32 $0xFFFFFC00  }
0x23: {  	[tilespmem:s26], [sflag:$0x4] =	stream.linear.gather [hbm4b:s12+s3], $0x400, $0x38;
	v63 =	vld [tilespmem:$0x0]  }
0x24: {  	s28 =	simm.s32 $0x0;
	s26 =	sor.u32 $0x800, s26  }
0x25: {  	[tilespmem:s26], [sflag:$0x5] =	stream.linear.gather [hbm4b:s11+s3], $0x400, $0x38;
	v63 =	vld [tilespmem:$0x0]  }
0x26: {  	s31 =	sand.u32 $0x400, s28  }
0x27: {  	[tilespmem:s19], [sflag:$0x1] =	stream.indirect.gather [hbm4b:s4+s18], $0x80, s31, s18, $0xb8;
	v63 =	vld [tilespmem:$0x0]  }
0x28: {  	s28 =	sor.u32 $0x80, s31  }
0x29: {  	[tilespmem:s20], [sflag:$0x2] =	stream.indirect.gather [hbm4b:s4+s18], $0x80, s28, s18, $0xb8;
	v63 =	vld [tilespmem:$0x0]  }
0x2a: {  	s28 =	sor.u32 $0x100, s31  }
0x2b: {  	[tilespmem:s21], [sflag:$0x3] =	stream.indirect.gather [hbm4b:s4+s18], $0x80, s28, s18, $0xb8;
	v63 =	vld [tilespmem:$0x0]  }
0x2c: {  	_ =	swait.ge [sflag:s22], $0x3C00  }
0x2d: {  	[sflag:s22] =	ssyncset.done $0x0  }
0x2e: {  	s28 =	sor.u32 $0x800, s31;
	[sflag:s22] =	ssyncadd.s32 $0xFFFFC400  }
0x2f: {  	[spmem:s1] =	stream.indirect.scatter.add.f32 [tilespmem:s19], [sflag:$0x6], $0x80, s28, s18, $0xb8;
	v63 =	vld [tilespmem:$0x0]  }
0x30: {  	_ =	swait.ge [sflag:s15], $0x3C00  }
0x31: {  	[sflag:s15] =	ssyncset.done $0x0  }
0x32: {  	[sflag:s15] =	ssyncadd.s32 $0xFFFFC400  }
0x33: {  	_ =	swait.ge [sflag:s23], $0x3C00  }
0x34: {  	[sflag:s23] =	ssyncset.done $0x0  }
0x35: {  	s28 =	sor.u32 $0x880, s31;
	[sflag:s23] =	ssyncadd.s32 $0xFFFFC400  }
0x36: {  	[spmem:s1] =	stream.indirect.scatter.add.f32 [tilespmem:s20], [sflag:$0x6], $0x80, s28, s18, $0xb8;
	v63 =	vld [tilespmem:$0x0]  }
0x37: {  	_ =	swait.ge [sflag:s15], $0x3C00  }
0x38: {  	[sflag:s15] =	ssyncset.done $0x0  }
0x39: {  	[sflag:s15] =	ssyncadd.s32 $0xFFFFC400  }
0x3a: {  	_ =	swait.ge [sflag:s24], $0x3C00  }
0x3b: {  	[sflag:s24] =	ssyncset.done $0x0  }
0x3c: {  	s26 =	sor.u32 $0x900, s31;
	[sflag:s24] =	ssyncadd.s32 $0xFFFFC400  }
0x3d: {  	[spmem:s1] =	stream.indirect.scatter.add.f32 [tilespmem:s21], [sflag:$0x6], $0x80, s26, s18, $0xb8;
	v63 =	vld [tilespmem:$0x0]  }
0x3e: {  	s29 =	smov.u32 s12;
	_ =	swait.ge [sflag:s15], $0x3C00  }
0x3f: {  	s28 =	smov.u32 s11;
	s26 =	simm.s32 $0x800;
	[sflag:s15] =	ssyncset.done $0x0  }
.LBB2_2:
0x40: {  	[sflag:s15] =	ssyncadd.s32 $0xFFFFC400  }
0x41: {  	s28 =	sadd.s32 $0x80, s28;
	s29 =	sadd.s32 $0x80, s29;
	s30 =	smov.u32 s26  }
0x42: {  	p0 =	sne.s32 s26, $0x7400;
	s26 =	sadd.s32 $0x400, s26;
	_ =	swait.ge [sflag:s16], $0x400  }
0x43: {  	[sflag:s16] =	ssyncset.done $0x0  }
0x44: {  	[sflag:s16] =	ssyncadd.s32 $0xFFFFFC00  }
0x45: {  	_ =	swait.ge [sflag:s17], $0x400  }
0x46: {  	[sflag:s17] =	ssyncset.done $0x0  }
0x47: {  	s31 =	sand.u32 $0x400, s30;
	[sflag:s17] =	ssyncadd.s32 $0xFFFFFC00  }
0x48: {  	[tilespmem:s31], [sflag:$0x4] =	stream.linear.gather [hbm4b:s29+s3], $0x400, $0x38;
	v63 =	vld [tilespmem:$0x0]  }
0x49: {  	s30 =	sadd.s32 $0xFFFFFC00, s30;
	s31 =	sor.u32 $0x800, s31  }
0x4a: {  	[tilespmem:s31], [sflag:$0x5] =	stream.linear.gather [hbm4b:s28+s3], $0x400, $0x38;
	v63 =	vld [tilespmem:$0x0]  }
0x4b: {  	s30 =	sand.u32 $0x400, s30  }
0x4c: {  	[tilespmem:s19], [sflag:$0x1] =	stream.indirect.gather [hbm4b:s4+s18], $0x80, s30, s18, $0xb8;
	v63 =	vld [tilespmem:$0x0]  }
0x4d: {  	s31 =	sor.u32 $0x80, s30  }
0x4e: {  	[tilespmem:s20], [sflag:$0x2] =	stream.indirect.gather [hbm4b:s4+s18], $0x80, s31, s18, $0xb8;
	v63 =	vld [tilespmem:$0x0]  }
0x4f: {  	s31 =	sor.u32 $0x100, s30  }
0x50: {  	[tilespmem:s21], [sflag:$0x3] =	stream.indirect.gather [hbm4b:s4+s18], $0x80, s31, s18, $0xb8;
	v63 =	vld [tilespmem:$0x0]  }
0x51: {  	_ =	swait.ge [sflag:s22], $0x3C00  }
0x52: {  	[sflag:s22] =	ssyncset.done $0x0  }
0x53: {  	s31 =	sor.u32 $0x800, s30;
	[sflag:s22] =	ssyncadd.s32 $0xFFFFC400  }
0x54: {  	[spmem:s1] =	stream.indirect.scatter.add.f32 [tilespmem:s19], [sflag:$0x6], $0x80, s31, s18, $0xb8;
	v63 =	vld [tilespmem:$0x0]  }
0x55: {  	_ =	swait.ge [sflag:s15], $0x3C00  }
0x56: {  	[sflag:s15] =	ssyncset.done $0x0  }
0x57: {  	[sflag:s15] =	ssyncadd.s32 $0xFFFFC400  }
0x58: {  	_ =	swait.ge [sflag:s23], $0x3C00  }
0x59: {  	[sflag:s23] =	ssyncset.done $0x0  }
0x5a: {  	s31 =	sor.u32 $0x880, s30;
	[sflag:s23] =	ssyncadd.s32 $0xFFFFC400  }
0x5b: {  	[spmem:s1] =	stream.indirect.scatter.add.f32 [tilespmem:s20], [sflag:$0x6], $0x80, s31, s18, $0xb8;
	v63 =	vld [tilespmem:$0x0]  }
0x5c: {  	_ =	swait.ge [sflag:s15], $0x3C00  }
0x5d: {  	[sflag:s15] =	ssyncset.done $0x0  }
0x5e: {  	[sflag:s15] =	ssyncadd.s32 $0xFFFFC400  }
0x5f: {  	_ =	swait.ge [sflag:s24], $0x3C00  }
.Ltmp0:
0x60: {  	[sflag:s24] =	ssyncset.done $0x0;
	(pc) =	sbr.rel @p0 .LBB2_2-.Ltmp0, $4  }
0x61: {  	s30 =	sor.u32 $0x900, s30;
	[sflag:s24] =	ssyncadd.s32 $0xFFFFC400  }
0x62: {  	[spmem:s1] =	stream.indirect.scatter.add.f32 [tilespmem:s21], [sflag:$0x6], $0x80, s30, s18, $0xb8;
	v63 =	vld [tilespmem:$0x0]  }
0x63: {  	_ =	swait.ge [sflag:s15], $0x3C00  }
0x64: {  	[sflag:s15] =	ssyncset.done $0x0  }
0x65: {  	[sflag:s15] =	ssyncadd.s32 $0xFFFFC400  }
0x66: {  	_ =	swait.ge [sflag:s16], $0x400  }
0x67: {  	[sflag:s16] =	ssyncset.done $0x0  }
0x68: {  	[sflag:s16] =	ssyncadd.s32 $0xFFFFFC00  }
0x69: {  	_ =	swait.ge [sflag:s17], $0x400  }
0x6a: {  	s25 =	sadd.s32 $0x1, s25;
	[sflag:s17] =	ssyncset.done $0x0  }
0x6b: {  	p0 =	sne.s32 s25, s10;
	[sflag:s17] =	ssyncadd.s32 $0xFFFFFC00  }
.Ltmp1:
0x6c: {  	[bflag:$0x0] =	sbarrier.arrive $0xFFFF;
	(pc) =	sbr.rel @p0 .LBB2_1-.Ltmp1, $4  }
0x6d: {  	[hbm:s9], [sflag:s8] =	dma.local [spmem:s14], $0x2780  }
0x6e: {  	_ =	swait.ge [sflag:s15], $0x2780  }
0x6f: {  	[sflag:s15] =	ssyncset.done $0x0  }
0x70: {  	[sflag:s15] =	ssyncadd.s32 $0xFFFFD880  }
0x71: {  	_ =	sfence.sel $0x180000  }
0x72: {  	[bflag:$0x0] =	sbarrier.arrive $0xFFFF  }
0x73: {  	p0 =	sne.s32 s2, $0x0;
	_ =	strace $0x9000004D  }
0x74: {  	s0 =	sadd.s32 @!p0 $0x100000, s0;
	[bflag:$0x2] =	sbarrier.arrive $0xFFFF  }
0x75: {  	[sflag:s0] =	ssyncadd.tile.s32 @!p0 $0x1;
	_ =	shalt  }
.Lfunc_end2:
_tile_overlayer_lowered:
.L_overlay_start_2:
0x76: {  	(tag) =	ssettag $0x2  }
0x77: {  	s0 =	rddreg [dreg:$0x0];
	s2 =	stileid.u32  }
0x78: {  	s1 =	rddreg [dreg:$0x1];
	p0 =	sne.s32 s2, $0x0  }
0x79: {  	s3 =	rddreg [dreg:$0x2];
	[bflag:$0x3] =	sbarrier.arrive $0xFFFF;
	s2 =	simm.s32 @!p0 $0x1C06  }
0x7a: {  	[timem:s3], [sflag:s2] =	dma.local @!p0 [hbm:s0], s1  }
0x7b: {  	s0 =	simm.s32 @!p0 $0x6  }
0x7c: {  	_ =	swait.ge @!p0 [sflag:s0], s1  }
0x7d: {  	s1 =	ssub.s32 @!p0 $0x0, s1;
	[sflag:s0] =	ssyncset.done @!p0 $0x0  }
0x7e: {  	[sflag:s0] =	ssyncadd.s32 @!p0 s1  }
0x7f: {  	[bflag:$0x3] =	sbarrier.arrive $0xFFFF  }
0x80: {  	_ =	shalt  }

// kernel: kernel.8.cloned.1.call-start
scs
__scs_entry_jumppad:
0x0: {  	(pc) =	sbr.rel $0x88, $3  }
0x1: {  	(tag) =	ssettag $0x0;
	lr =	simm.s32 $0x1  }
0x2: {  	[smem:$0x3F99] =	sst lr;
	_ =	strace $0xD0000000  }
0x3: {  	_ = 	snop  }
0x4: {  	_ = 	snop  }
0x5: {  	_ = 	snop  }
0x6: {  	_ = 	snop  }
0x7: {  	_ = 	snop  }
__scs_overlays_trampoline_lowered:
0x8: {  	[smem:$0x3FA8] =	sst s0  }
0x9: {  	[smem:$0x3FA9] =	sst s1  }
0xa: {  	[smem:$0x3FAA] =	sst s2  }
0xb: {  	[smem:$0x3FAB] =	sst s3  }
0xc: {  	[smem:$0x3FAC] =	sst s4  }
0xd: {  	[smem:$0x3FAD] =	sst s5  }
0xe: {  	[smem:$0x3FAE] =	sst s6  }
0xf: {  	[smem:$0x3FAF] =	sst s7  }
0x10: {  	[smem:$0x3FB0] =	sst s8  }
0x11: {  	[smem:$0x3FB1] =	sst s9;
	s0 =	simm.s32 @!p0 $0x0  }
0x12: {  	s1 =	sld [smem:$0x3F97];
	s0 =	simm.s32 @p0 $0x1  }
0x13: {  	[smem:$0x3FB2] =	sst s0;
	s0 =	simm.s32 @!p1 $0x0  }
0x14: {  	s2 =	sld [smem:$0x3F96];
	s0 =	simm.s32 @p1 $0x1  }
0x15: {  	[smem:$0x3FB3] =	sst s0;
	s0 =	simm.s32 @!p2 $0x0  }
0x16: {  	s3 =	sld [smem:$0x3FDB];
	s0 =	simm.s32 @p2 $0x1  }
0x17: {  	s4 =	simm.s32 $0x1BF5;
	[smem:$0x3FB5] =	sst s0  }
0x18: {  	s0 =	sld [smem:$0x3F98];
	_ =	swait.ge [sflag:s4], $0x0  }
0x19: {  	s7 =	sld [smem:$0x3F99]  }
0x1a: {  	s8 =	sadd.s32 $0xFFFFE003, lr  }
0x1b: {  	s9 =	sadd.s32 $0xFFFFFEF7, lr;
	s5 =	simm.s32 $0xFFFFFFFF;
	p2 =	slt.u32 s8, $0xFFFFF086  }
0x1c: {  	p1 =	slt.u32 s9, $0xF7A;
	s5 =	simm.s32 @!p2 $0x0  }
0x1d: {  	s5 =	simm.s32 @p1 $0x1;
	p0 =	seq.s32 s7, s2  }
0x1e: {  	s7 =	smul.u32 @!p0 $0xF7A, s2;
	p2 =	seq.s32 @!p0 s5, $0x0  }
0x1f: {  	s9 =	smul.u32 $0xF7A, s1;
	s8 =	simm.s32 @!p0 $0x1BF5;
	p2 =	por !p2, p0  }
0x20: {  	[sflag:s8] =	ssyncset.s32 @!p0 $0xFFFFF086;
	s6 =	sadd.s32 @!p0 s3, s7;
	s7 =	simm.s32 @!p0 $0x108  }
0x21: {  	s3 =	sadd.s32 s3, s9;
	s6 =	sadd.s32 @!p0 $0x88, s6;
	s7 =	simm.s32 @p2 $0x1082  }
0x22: {  	[simem:s7], [sflag:s8] =	dma.local @!p0 [hbm:s6], $0xF7A  }
0x23: {  	s9 =	sor.u32 $0xD0000000, s2;
	s6 =	simm.s32 $0x108;
	_ =	swait.ge @!p0 [sflag:s8], $0x0  }
0x24: {  	s3 =	sadd.s32 $0x88, s3;
	s6 =	simm.s32 @!p1 $0x1082;
	[sflag:s4] =	ssyncset.s32 $0xFFFFF086  }
0x25: {  	[simem:s6], [sflag:s4] =	dma.local [hbm:s3], $0xF7A  }
0x26: {  	[smem:$0x3F99] =	sst s1;
	(tag) =	ssettag s2;
	_ =	strace s9  }
0x27: {  	s1 =	sld [smem:$0x3FA9]  }
0x28: {  	s2 =	sld [smem:$0x3FAA]  }
0x29: {  	s4 =	sld [smem:$0x3FAC]  }
0x2a: {  	p0 =	seq.s32 s5, $0x0;
	s5 =	sld [smem:$0x3FAD]  }
0x2b: {  	s6 =	sld [smem:$0x3FAE]  }
0x2c: {  	s7 =	sld [smem:$0x3FAF]  }
0x2d: {  	s3 =	simm.s32 $0x108;
	s8 =	sld [smem:$0x3FB0]  }
0x2e: {  	s3 =	simm.s32 @!p0 $0x1082;
	s9 =	sld [smem:$0x3FB1]  }
0x2f: {  	lr =	sadd.s32 s0, s3;
	s0 =	sld [smem:$0x3FA8]  }
0x30: {  	s3 =	sld [smem:$0x3FAB]  }
0x31: {  	[smem:$0x3FB4] =	sst s10  }
0x32: {  	s10 =	sld [smem:$0x3FB2];
	_ =	sdelay $0x3  }
0x33: {  	p0 =	seq.s32 s10, $0x1;
	s10 =	sld [smem:$0x3FB4];
	_ =	sdelay $0x3  }
0x34: {  	[smem:$0x3FB4] =	sst s10  }
0x35: {  	s10 =	sld [smem:$0x3FB3];
	_ =	sdelay $0x3  }
0x36: {  	p1 =	seq.s32 s10, $0x1;
	s10 =	sld [smem:$0x3FB4];
	_ =	sdelay $0x3  }
0x37: {  	[smem:$0x3FB4] =	sst s10  }
0x38: {  	s10 =	sld [smem:$0x3FB5]  }
0x39: {  	_ = 	snop;
	(pc) =	sbr.ind lr, $3  }
0x3a: {  	_ = 	snop  }
0x3b: {  	_ = 	snop  }
0x3c: {  	p2 =	seq.s32 s10, $0x1;
	s10 =	sld [smem:$0x3FB4]  }
0x3d: {  	_ =	shalt  }
0x3e: {  	_ =	shalt  }
0x3f: {  	_ =	shalt  }
0x40: {  	_ =	shalt  }
0x41: {  	_ =	shalt  }
0x42: {  	_ =	shalt  }
0x43: {  	_ =	shalt  }
0x44: {  	_ =	shalt  }
0x45: {  	_ =	shalt  }
0x46: {  	_ =	shalt  }
0x47: {  	_ =	shalt  }
0x48: {  	_ =	shalt  }
0x49: {  	_ =	shalt  }
0x4a: {  	_ =	shalt  }
0x4b: {  	_ =	shalt  }
0x4c: {  	_ =	shalt  }
0x4d: {  	_ =	shalt  }
0x4e: {  	_ =	shalt  }
0x4f: {  	_ =	shalt  }
0x50: {  	_ =	shalt  }
0x51: {  	_ =	shalt  }
0x52: {  	_ =	shalt  }
0x53: {  	_ =	shalt  }
0x54: {  	_ =	shalt  }
0x55: {  	_ =	shalt  }
0x56: {  	_ =	shalt  }
0x57: {  	_ =	shalt  }
0x58: {  	_ =	shalt  }
0x59: {  	_ =	shalt  }
0x5a: {  	_ =	shalt  }
0x5b: {  	_ =	shalt  }
0x5c: {  	_ =	shalt  }
0x5d: {  	_ =	shalt  }
0x5e: {  	_ =	shalt  }
0x5f: {  	_ =	shalt  }
0x60: {  	_ =	shalt  }
0x61: {  	_ =	shalt  }
0x62: {  	_ =	shalt  }
0x63: {  	_ =	shalt  }
0x64: {  	_ =	shalt  }
0x65: {  	_ =	shalt  }
0x66: {  	_ =	shalt  }
0x67: {  	_ =	shalt  }
0x68: {  	_ =	shalt  }
0x69: {  	_ =	shalt  }
0x6a: {  	_ =	shalt  }
0x6b: {  	_ =	shalt  }
0x6c: {  	_ =	shalt  }
0x6d: {  	_ =	shalt  }
0x6e: {  	_ =	shalt  }
0x6f: {  	_ =	shalt  }
0x70: {  	_ =	shalt  }
0x71: {  	_ =	shalt  }
0x72: {  	_ =	shalt  }
0x73: {  	_ =	shalt  }
0x74: {  	_ =	shalt  }
0x75: {  	_ =	shalt  }
0x76: {  	_ =	shalt  }
0x77: {  	_ =	shalt  }
0x78: {  	_ =	shalt  }
0x79: {  	_ =	shalt  }
0x7a: {  	_ =	shalt  }
0x7b: {  	_ =	shalt  }
0x7c: {  	_ =	shalt  }
0x7d: {  	_ =	shalt  }
0x7e: {  	_ =	shalt  }
0x7f: {  	_ =	shalt  }
0x80: {  	_ =	shalt  }
0x81: {  	_ =	shalt  }
0x82: {  	_ =	shalt  }
0x83: {  	_ =	shalt  }
0x84: {  	_ =	shalt  }
0x85: {  	_ =	shalt  }
0x86: {  	_ =	shalt  }
0x87: {  	_ =	shalt  }
.Lfunc_end0:
.L_simem_size_0:
called_computation_lowered:
.L_overlay_start_0:
0x88: {  	s2 =	sld [smem:$0x3FD9]  }
0x89: {  	s3 =	sld [smem:$0x3FFE];
	_ =	sdelay $0x1  }
0x8a: {  	s1 =	srdreg.scid  }
0x8b: {  	s0 =	sand.u32 $0x1, s1  }
0x8c: {  	s17 =	sshll.u32 s0, $0xA;
	s2 =	sadd.s32 s3, s2  }
0x8d: {  	s2 =	sadd.s32 s2, s17  }
0x8e: {  	[smem:$0x3FC0] =	sst s2  }
0x8f: {  	_ = 	snop  }
0x90: {  	s2 =	sld [smem:$0x3FD0];
	(tm) =	ssettm $0x1  }
0x91: {  	s18 =	sld [smem:$0x3FFB];
	_ =	sdelay $0x3  }
0x92: {  	_ =	strace s18  }
0x93: {  	s3 =	sld [smem:$0x3FFC];
	_ =	sdelay $0x3  }
0x94: {  	_ =	strace s3  }
0x95: {  	s3 =	sld [smem:$0x3FFD];
	_ =	sdelay $0x3  }
0x96: {  	_ =	strace s3  }
0x97: {  	_ =	strace $0x8FFFFFFF  }
0x98: {  	s19 =	sld [smem:$0x3FDB];
	_ =	sdelay $0x1  }
0x99: {  	s4 =	simm.s32 $_scs_section_size  }
0x9a: {  	s5 =	simm.s32 $_size__tile_overlayer_lowered;
	s6 =	simm.s32 $_tile_overlayer_lowered  }
0x9b: {  	s22 =	simm.s32 $0x1BFF;
	s21 =	sshll.u32 s6, $0x1;
	s3 =	sadd.s32 s4, s19  }
0x9c: {  	s7 =	simm.s32 $0x0;
	s20 =	sshll.u32 s5, $0x1;
	s5 =	sadd.s32 s21, s3  }
0x9d: {  	[timem:s7], [sflag:s22] =	dma.local [hbm:s5], s20  }
0x9e: {  	_ =	swait.ge [sflag:s22], s20  }
0x9f: {  	s4 =	ssub.s32 $0x0, s20;
	[sflag:s22] =	ssyncset.done $0x0  }
0xa0: {  	[sflag:s22] =	ssyncadd.s32 s4;
	_ =	sdelay $0x1  }
0xa1: {  	s23 =	simm.s32 $0x1B8B  }
0xa2: {  	_ =	swait.ge [sflag:s23], $0x1  }
0xa3: {  	[sflag:s23] =	ssyncset.done $0x0  }
0xa4: {  	s25 =	simm.s32 $0x1B8E;
	s24 =	sld [smem:$0x3FFE];
	[sflag:s23] =	ssyncadd.s32 $0xFFFFFFFF  }
0xa5: {  	s26 =	simm.s32 $execute0_lowered;
	[smem:$0x3FD2] =	sst s25  }
0xa6: {  	s5 =	sshll.u32 s26, $0x1;
	_ =	strace $0x80000046;
	[dreg:$0x1] =	wrdreg $0xFFFFFFFF  }
0xa7: {  	s28 =	simm.s32 $_size_execute0_lowered;
	s3 =	sadd.s32 s3, s5;
	[dreg:$0x0] =	wrdreg $0x0  }
0xa8: {  	s5 =	sshll.u32 s28, $0x1;
	[dreg:$0x2] =	wrdreg s3  }
0xa9: {  	[dreg:$0x3] =	wrdreg s5  }
0xaa: {  	[dreg:$0x4] =	wrdreg $0xC0  }
0xab: {  	_ =	task [dreg:s7], $0x5FFFF  }
0xac: {  	[dreg:$0x1] =	wrdreg $0xFFFFFFFF  }
0xad: {  	[dreg:$0x0] =	wrdreg $0x60  }
0xae: {  	[dreg:$0x2] =	wrdreg s24  }
0xaf: {  	[dreg:$0x3] =	wrdreg s2  }
0xb0: {  	[dreg:$0x4] =	wrdreg $0x6C000  }
0xb1: {  	[dreg:$0x5] =	wrdreg $0x9  }
0xb2: {  	_ =	task.clear_ibuf [dreg:s7], $0x6FFFF;
	_ =	strace $0x90000046  }
0xb3: {  	s29 =	simm.s32 $0x9;
	_ =	strace $0x80000048  }
0xb4: {  	_ =	swait.ge [sflag:s29], $0x1  }
0xb5: {  	[sflag:s29] =	ssyncadd.s32 $0xFFFFFFFF  }
0xb6: {  	_ =	strace $0x90000048  }
0xb7: {  	_ =	sfence  }
0xb8: {  	s30 =	sld [smem:$0x0];
	_ =	sdelay $0x2  }
0xb9: {  	s31 =	sshll.u32 s1, $0xD;
	s1 =	sshrl.u32 s1, $0x2  }
0xba: {  	s3 =	sand.u32 $0x4000, s31;
	s1 =	sadd.s32 s1, s30  }
0xbb: {  	s0 =	sor.u32 s3, s0;
	s1 =	sshll.u32 s1, $0x11  }
0xbc: {  	s0 =	sor.u32 s1, s0  }
0xbd: {  	s0 =	sadd.s32 $0x8F2B, s0  }
0xbe: {  	[sflag:s0] =	ssyncadd.remote.s32 $0x1  }
0xbf: {  	_ =	sfence.sel $0xFFFF  }
0xc0: {  	[dreg:$0x0] =	wrdreg $0xFFFFFFFF;
	(pc) =	sbr.abs _section_cstart, $3  }
0xc1: {  	[dreg:$0x1] =	wrdreg $0xFFFFFFFF  }
0xc2: {  	_ =	task.clear_ibuf [dreg:s7], $0x2FFFF;
	_ =	strace $0x9FFFFFFF  }
0xc3: {  	(tm) =	ssettm $0x7FFFFFFF  }
tec
execute0_lowered:
.L_overlay_start_1:
0x0: {  	(tag) =	ssettag $0x1  }
0x1: {  	s6 =	rddreg [dreg:$0x0]  }
0x2: {  	s7 =	rddreg [dreg:$0x1]  }
0x3: {  	s1 =	rddreg [dreg:$0x2]  }
0x4: {  	s0 =	rddreg [dreg:$0x3];
	s3 =	simm.s32 $0x0;
	s2 =	srdreg.scid  }
0x5: {  	s13 =	simm.s32 $0x80;
	[smem:$0x7FF] =	sst s3;
	s8 =	sand.u32 $0x1, s2  }
0x6: {  	s14 =	simm.s32 $0x0;
	s2 =	stileid.u32;
	s9 =	smul.u32 $0x13C000, s8  }
0x7: {  	s4 =	sadd.s32 $0x3200, s6;
	s5 =	sadd.s32 $0x3A00, s6;
	s10 =	smul.u32 $0x13C00, s2  }
0x8: {  	_ =	strace $0x80000047;
	s11 =	sshll.u32 s8, $0x4;
	s29 =	smul.u32 $0x4F000, s2  }
0x9: {  	s8 =	ssub.s32 $0x2, s8;
	s31 =	sshll.u32 s2, $0x6;
	s28 =	sor.u32 s2, s11  }
0xa: {  	s30 =	sshrl.u32 s8, $0x1;
	s9 =	sadd.s32 s10, s9;
	s10 =	smul.u32 $0x580, s28  }
0xb: {  	s11 =	sshrl.u32 s29, $0x2;
	s8 =	ssub.s32 s8, s30;
	s9 =	sshrl.u32 s9, $0x3  }
0xc: {  	s12 =	sadd.s32 s11, s1;
	s8 =	smax.u32 s8, $0x1;
	s11 =	sor.u32 $0x1C01, s31  }
0xd: {  	s9 =	sadd.s32 s9, s6;
	s6 =	sadd.s32 s7, s10;
	s10 =	simm.s32 $0x2C00  }
0xe: {  	s12 =	sshrl.u32 s12, $0x3;
	s7 =	sadd.s32 $0x6200, s9;
	s9 =	simm.s32 $0x1  }
.LBB2_1:
0xf: {  	[tilespmem:s3], [sflag:$0x1] =	stream.linear.gather [hbm4b:s6+s3], $0x2900, $0x38;
	[tilespmem:$0x1A800] =	vst v63  }
0x10: {  	_ =	swait.ge [sflag:s9], $0x2900  }
0x11: {  	[sflag:s9] =	ssyncset.done $0x0  }
0x12: {  	[sflag:s9] =	ssyncadd.s32 $0xFFFFD700  }
0x13: {  	[tilespmem:s10], [sflag:$0x1] =	stream.linear.gather [hbm4b:s4+s3], $0x4000, $0x38;
	[tilespmem:$0x1A800] =	vst v63  }
0x14: {  	_ =	swait.ge [sflag:s9], $0x4000  }
0x15: {  	[sflag:s9] =	ssyncset.done $0x0  }
0x16: {  	[sflag:s9] =	ssyncadd.s32 $0xFFFFC000  }
0x17: {  	[spmem:s12], [sflag:s11] =	dma.local [hbm:s5], $0x2780  }
0x18: {  	_ =	swait.ge [sflag:s9], $0x2780  }
0x19: {  	[sflag:s9] =	ssyncset.done $0x0  }
0x1a: {  	[sflag:s9] =	ssyncadd.s32 $0xFFFFD880  }
0x1b: {  	s15 =	simm.s32 $0x0;
	[bflag:$0x0] =	sbarrier.arrive $0xFFFF  }
0x1c: {  	[spmem:s1] =	stream.indirect.scatter.add.f32 [tilespmem:s10], [sflag:$0x1], $0x80, s15, s13, $0xb8;
	[tilespmem:$0x1A800] =	vst v63  }
0x1d: {  	_ =	swait.ge [sflag:s9], $0x4000  }
0x1e: {  	s15 =	simm.s32 $0x200;
	[sflag:s9] =	ssyncset.done $0x0  }
.LBB2_2:
0x1f: {  	s16 =	sshra.s32 s15, $0x2;
	[sflag:s9] =	ssyncadd.s32 $0xFFFFC000;
	p0 =	sne.s32 s15, $0xA200  }
0x20: {  	[spmem:s1] =	stream.indirect.scatter.add.f32 [tilespmem:s10], [sflag:$0x1], $0x80, s16, s13, $0xb8;
	[tilespmem:$0x1A800] =	vst v63  }
.Ltmp0:
0x21: {  	_ = 	snop;
	(pc) =	sbr.rel @p0 .LBB2_2-.Ltmp0, $4  }
0x22: {  	_ = 	snop  }
0x23: {  	s15 =	sadd.s32 $0x200, s15  }
0x24: {  	_ =	swait.ge [sflag:s9], $0x4000  }
0x25: {  	[sflag:s9] =	ssyncset.done $0x0  }
0x26: {  	s14 =	sadd.s32 $0x1, s14  }
0x27: {  	[sflag:s9] =	ssyncadd.s32 $0xFFFFC000;
	p0 =	sne.s32 s14, s8  }
.Ltmp1:
0x28: {  	[bflag:$0x0] =	sbarrier.arrive $0xFFFF;
	(pc) =	sbr.rel @p0 .LBB2_1-.Ltmp1, $4  }
0x29: {  	[hbm:s7], [sflag:s11] =	dma.local [spmem:s12], $0x2780  }
0x2a: {  	_ =	swait.ge [sflag:s9], $0x2780  }
0x2b: {  	[sflag:s9] =	ssyncset.done $0x0  }
0x2c: {  	[sflag:s9] =	ssyncadd.s32 $0xFFFFD880  }
0x2d: {  	_ =	sfence.sel $0x180000  }
0x2e: {  	[bflag:$0x0] =	sbarrier.arrive $0xFFFF  }
0x2f: {  	p0 =	sne.s32 s2, $0x0;
	_ =	strace $0x90000047  }
0x30: {  	s0 =	sadd.s32 @!p0 $0x100000, s0;
	[bflag:$0x2] =	sbarrier.arrive $0xFFFF  }
0x31: {  	[sflag:s0] =	ssyncadd.tile.s32 @!p0 $0x1;
	_ =	shalt  }
.Lfunc_end2:
_tile_overlayer_lowered:
.L_overlay_start_2:
0x32: {  	(tag) =	ssettag $0x2  }
0x33: {  	s0 =	rddreg [dreg:$0x0];
	s2 =	stileid.u32  }
0x34: {  	s1 =	rddreg [dreg:$0x1];
	p0 =	sne.s32 s2, $0x0  }
0x35: {  	s3 =	rddreg [dreg:$0x2];
	[bflag:$0x3] =	sbarrier.arrive $0xFFFF;
	s2 =	simm.s32 @!p0 $0x1C01  }
0x36: {  	[timem:s3], [sflag:s2] =	dma.local @!p0 [hbm:s0], s1  }
0x37: {  	s0 =	simm.s32 @!p0 $0x1  }
0x38: {  	_ =	swait.ge @!p0 [sflag:s0], s1  }
0x39: {  	s1 =	ssub.s32 @!p0 $0x0, s1;
	[sflag:s0] =	ssyncset.done @!p0 $0x0  }
0x3a: {  	[sflag:s0] =	ssyncadd.s32 @!p0 s1  }
0x3b: {  	[bflag:$0x3] =	sbarrier.arrive $0xFFFF  }
0x3c: {  	_ =	shalt  }

</sc_bundles>
